<compile_context>
chip_gen: v7x
topology: tpu7x:2x2x1
jax: 0.10.2.dev20260603
libtpu: 0.0.44.dev20260713+nightly
codegen_flags: <defaults>
</compile_context>

<pallas_src>
import functools

import jax
import jax.numpy as jnp
from jax import lax
from jax.experimental import pallas as pl
from jax.experimental.pallas import tpu as pltpu
from jax.experimental.pallas import tpu_sc as plsc

N = 8388608
SENSOR_X, SENSOR_Y = 640, 480
XBINS, YBINS = 32, 24
NBINS = 2 * YBINS * XBINS
FX = XBINS / SENSOR_X
FY = YBINS / SENSOR_Y

L = 16
NW = 32
EV_PER_W = N // NW
CHUNK = 4096
CH_F = CHUNK * 4
N_CHUNK = EV_PER_W // CHUNK
VEC_PER_CHUNK = CHUNK // L
BPW = NBINS // NW

_mesh = plsc.VectorSubcoreMesh(core_axis_name="c", subcore_axis_name="s")
_params = pltpu.CompilerParams(needs_layout_passes=False)


@functools.partial(
    pl.kernel,
    out_type=jax.ShapeDtypeStruct((NW, NBINS), jnp.float32),
    mesh=_mesh,
    scratch_types=[
        pltpu.VMEM((CH_F,), jnp.float32),
        pltpu.VMEM((NBINS * L,), jnp.float32),
        pltpu.VMEM((NBINS,), jnp.float32),
    ],
    compiler_params=_params,
)
def _hist_stage1(ev_hbm, out_hbm, buf, hist16, histr):
    wid = lax.axis_index("s") * 2 + lax.axis_index("c")
    iota = lax.iota(jnp.int32, L)
    iota4 = iota * 4
    zeros16 = jnp.zeros((L,), jnp.float32)
    ones16 = jnp.ones((L,), jnp.float32)

    def zero_body(i, carry):
        hist16[pl.ds(i * L, L)] = zeros16
        return carry

    lax.fori_loop(0, NBINS, zero_body, 0)

    base_w = wid * (EV_PER_W * 4)

    def chunk_body(c, carry):
        pltpu.sync_copy(ev_hbm.at[pl.ds(base_w + c * CH_F, CH_F)], buf)

        def vec_body(i, acc):
            off = i * (4 * L)
            vx = plsc.load_gather(buf, [iota4 + off])
            vy = plsc.load_gather(buf, [iota4 + (off + 1)])
            vp = plsc.load_gather(buf, [iota4 + (off + 3)])
            xb = jnp.clip((vx * FX).astype(jnp.int32), 0, XBINS - 1)
            yb = jnp.clip((vy * FY).astype(jnp.int32), 0, YBINS - 1)
            b = yb * XBINS + xb
            b = jnp.where(vp > 0.0, b, b + YBINS * XBINS)
            plsc.addupdate_scatter(hist16, [b * L + iota], ones16)
            return acc

        lax.fori_loop(0, VEC_PER_CHUNK, vec_body, 0, unroll=4)
        return carry

    lax.fori_loop(0, N_CHUNK, chunk_body, 0)

    def red_body(g, carry):
        base = g * (L * L)
        acc = zeros16
        for lane in range(L):
            acc = acc + plsc.load_gather(hist16, [base + iota * L + lane])
        histr[pl.ds(g * L, L)] = acc
        return carry

    lax.fori_loop(0, NBINS // L, red_body, 0)
    pltpu.sync_copy(histr, out_hbm.at[wid])


@functools.partial(
    pl.kernel,
    out_type=jax.ShapeDtypeStruct((NBINS,), jnp.float32),
    mesh=_mesh,
    scratch_types=[
        pltpu.VMEM((NW * NBINS,), jnp.float32),
        pltpu.VMEM((BPW,), jnp.float32),
    ],
    compiler_params=_params,
)
def _hist_stage2(parts_hbm, out_hbm, tbl, outv):
    wid = lax.axis_index("s") * 2 + lax.axis_index("c")
    pltpu.sync_copy(parts_hbm, tbl)

    def tot_body(i, acc):
        return acc + tbl[pl.ds(i * L, L)]

    acc = lax.fori_loop(0, NW * NBINS // L, tot_body,
                        jnp.zeros((L,), jnp.float32), unroll=4)
    total = jnp.sum(acc)
    bits = lax.bitcast_convert_type(total, jnp.int32)
    x0 = lax.bitcast_convert_type(jnp.int32(0x7EF311C3) - bits, jnp.float32)
    x1 = x0 * (2.0 - total * x0)
    x2 = x1 * (2.0 - total * x1)
    x3 = x2 * (2.0 - total * x2)
    inv = jnp.where(total > 0.0, x3, 1.0)

    for k in range(BPW // L):
        def w_body(w, a):
            return a + tbl[pl.ds(w * NBINS + wid * BPW + k * L, L)]

        a = lax.fori_loop(0, NW, w_body, jnp.zeros((L,), jnp.float32))
        outv[pl.ds(k * L, L)] = a * inv

    pltpu.sync_copy(outv, out_hbm.at[pl.ds(wid * BPW, BPW)])


def kernel(events):
    ev_flat = events.reshape(-1)
    parts = _hist_stage1(ev_flat)
    hist = _hist_stage2(parts.reshape(-1))
    return hist.reshape(2, YBINS, XBINS)

# --- scband reference (transcript-rebuilt; emitter-appended) ---
"""Pipeline reference for scband-spatial-encoder-16578573762771 (READ-ONLY COPY).

The authoritative reference and input builder live on the scoring server;
editing this copy changes nothing except your own understanding.
"""

import jax, jax.numpy as jnp
import numpy as np

N = 8388608
SENSOR = (640, 480)
BINS = (32, 24)  # (x_bins, y_bins)

def setup_inputs(seed: int = 0) -> dict:
    key = jax.random.key(seed)
    k1, k2, k3, k4 = jax.random.split(key, 4)
    x = jax.random.uniform(k1, (N,), dtype=jnp.float32) * SENSOR[0]
    y = jax.random.uniform(k2, (N,), dtype=jnp.float32) * SENSOR[1]
    t = jax.random.uniform(k3, (N,), dtype=jnp.float32) * 50.0
    p = jnp.where(jax.random.uniform(k4, (N,), dtype=jnp.float32) > 0.5, 1.0, -1.0).astype(jnp.float32)
    events = jnp.stack([x, y, t, p], axis=1)
    return {"events": events}

def reference(events):
    x_factor = BINS[0] / SENSOR[0]
    y_factor = BINS[1] / SENSOR[1]
    x_coords = events[:, 0]
    y_coords = events[:, 1]
    polarities = events[:, 3]
    # torch .long() truncates toward zero; coords are non-negative so int cast == floor
    x_bins = jnp.clip((x_coords * x_factor).astype(jnp.int32), 0, BINS[0] - 1)
    y_bins = jnp.clip((y_coords * y_factor).astype(jnp.int32), 0, BINS[1] - 1)
    pos_w = (polarities > 0).astype(jnp.float32)
    neg_w = (polarities <= 0).astype(jnp.float32)
    # histogramdd over already-integer bin coords with unit-width bins == count per (y_bin, x_bin)
    pos_hist = jnp.zeros((BINS[1], BINS[0]), dtype=jnp.float32).at[y_bins, x_bins].add(pos_w)
    neg_hist = jnp.zeros((BINS[1], BINS[0]), dtype=jnp.float32).at[y_bins, x_bins].add(neg_w)
    histogram = jnp.stack([pos_hist, neg_hist], axis=0)
    total = histogram.sum()
    histogram = jnp.where(total > 0, histogram / total, histogram)
    return histogram

if __name__ == "__main__":
    import jax
    _d = setup_inputs()
    print(jax.jit(kernel)(*tuple(_d.values())))

</pallas_src>

<mosaic_0001>
#map = affine_map<(d0, d1) -> (0)>
module attributes {stable_mosaic.version = 14 : i64} {
  func.func @_hist_stage2(%arg0: i32, %arg1: i32, %arg2: memref<49152xf32, #tpu.memory_space<hbm>>, %arg3: memref<1536xf32, #tpu.memory_space<hbm>>, %arg4: memref<49152xf32, #tpu.memory_space<vmem>>, %arg5: memref<48xf32, #tpu.memory_space<vmem>>) attributes {dimension_semantics = [#tpu.dimension_semantics<core_parallel>, #tpu.dimension_semantics<subcore_parallel>], iteration_bounds = array<i64: 2, 16>, scalar_prefetch = 0 : i64, scratch_operands = 2 : i64, tpu.core_type = #tpu.core_type<sc_vector_subcore>, window_params = [{transform_indices = #map}, {transform_indices = #map}]} {
    %mul3A = arith.constant 2 : i32
    %mul3A_0 = arith.muli %arg1, %mul3A : i32
    %add3A = arith.addi %mul3A_0, %arg0 : i32
    "tpu.region"() ({
      %run_scoped3A = tpu.sem_alloc : memref<!tpu.dma_semaphore, #tpu.memory_space<semaphore_mem>>
      tpu.enqueue_dma source(%arg2 : memref<49152xf32, #tpu.memory_space<hbm>>) target(%arg4 : memref<49152xf32, #tpu.memory_space<vmem>>) target_semaphore(%run_scoped3A : memref<!tpu.dma_semaphore, #tpu.memory_space<semaphore_mem>>)
      tpu.wait_dma2 semaphore(%run_scoped3A : memref<!tpu.dma_semaphore, #tpu.memory_space<semaphore_mem>>) src(%arg2 : memref<49152xf32, #tpu.memory_space<hbm>>) dst(%arg4 : memref<49152xf32, #tpu.memory_space<vmem>>)
      tpu.yield
    }) : () -> ()
    %broadcast_in_dim3A = arith.constant 0.000000e+00 : f32
    %broadcast_in_dim3A_1 = vector.broadcast %broadcast_in_dim3A : f32 to vector<16xf32>
    %scan3A = arith.constant 0 : i32
    %scan3A_2 = arith.constant 3072 : i32
    %scan3A_3 = arith.addi %scan3A, %scan3A_2 : i32
    %scan3A_4 = arith.constant 4 : i32
    %scan3A_5 = scf.for %scan3A_62 = %scan3A to %scan3A_3 step %scan3A_4 iter_args(%scan3A_63 = %broadcast_in_dim3A_1) -> (vector<16xf32>)  : i32 {
      %mul3A_64 = arith.constant 16 : i32
      %mul3A_65 = arith.muli %scan3A_62, %mul3A_64 : i32
      %get3A = arith.index_cast %mul3A_65 : i32 to index
      %get3A_66 = tpu.vector_load %arg4[%get3A] {strides = array<i32>} : memref<49152xf32, #tpu.memory_space<vmem>>, vector<16xf32>,
      %add3A_67 = arith.addf %scan3A_63, %get3A_66 : vector<16xf32>
      %scan3A_68 = arith.constant 1 : i32
      %scan3A_69 = arith.addi %scan3A_62, %scan3A_68 : i32
      %mul3A_70 = arith.constant 16 : i32
      %mul3A_71 = arith.muli %scan3A_69, %mul3A_70 : i32
      %get3A_72 = arith.index_cast %mul3A_71 : i32 to index
      %get3A_73 = tpu.vector_load %arg4[%get3A_72] {strides = array<i32>} : memref<49152xf32, #tpu.memory_space<vmem>>, vector<16xf32>,
      %add3A_74 = arith.addf %add3A_67, %get3A_73 : vector<16xf32>
      %scan3A_75 = arith.constant 2 : i32
      %scan3A_76 = arith.addi %scan3A_62, %scan3A_75 : i32
      %mul3A_77 = arith.constant 16 : i32
      %mul3A_78 = arith.muli %scan3A_76, %mul3A_77 : i32
      %get3A_79 = arith.index_cast %mul3A_78 : i32 to index
      %get3A_80 = tpu.vector_load %arg4[%get3A_79] {strides = array<i32>} : memref<49152xf32, #tpu.memory_space<vmem>>, vector<16xf32>,
      %add3A_81 = arith.addf %add3A_74, %get3A_80 : vector<16xf32>
      %scan3A_82 = arith.constant 3 : i32
      %scan3A_83 = arith.addi %scan3A_62, %scan3A_82 : i32
      %mul3A_84 = arith.constant 16 : i32
      %mul3A_85 = arith.muli %scan3A_83, %mul3A_84 : i32
      %get3A_86 = arith.index_cast %mul3A_85 : i32 to index
      %get3A_87 = tpu.vector_load %arg4[%get3A_86] {strides = array<i32>} : memref<49152xf32, #tpu.memory_space<vmem>>, vector<16xf32>,
      %add3A_88 = arith.addf %add3A_81, %get3A_87 : vector<16xf32>
      scf.yield %add3A_88 : vector<16xf32>
    }
    %scan3A_6 = arith.constant 3072 : i32
    %reduce_sum3A = arith.constant true
    %reduce_sum3A_7 = vector.broadcast %reduce_sum3A : i1 to vector<16xi1>
    %reduce_sum3A_8 = tpu.scan <sum>, %scan3A_5 masked %reduce_sum3A_7 : vector<16xf32>, vector<16xi1> -> vector<16xf32>
    %reduce_sum3A_9 = vector.extract %reduce_sum3A_8[15] : f32 from vector<16xf32>
    %bitcast_convert_type3A = arith.bitcast %reduce_sum3A_9 : f32 to i32
    %sub3A = arith.constant 2129859011 : i32
    %sub3A_10 = arith.subi %sub3A, %bitcast_convert_type3A : i32
    %bitcast_convert_type3A_11 = arith.bitcast %sub3A_10 : i32 to f32
    %mul3A_12 = arith.mulf %reduce_sum3A_9, %bitcast_convert_type3A_11 : f32
    %sub3A_13 = arith.constant 2.000000e+00 : f32
    %sub3A_14 = arith.subf %sub3A_13, %mul3A_12 : f32
    %mul3A_15 = arith.mulf %bitcast_convert_type3A_11, %sub3A_14 : f32
    %mul3A_16 = arith.mulf %reduce_sum3A_9, %mul3A_15 : f32
    %sub3A_17 = arith.constant 2.000000e+00 : f32
    %sub3A_18 = arith.subf %sub3A_17, %mul3A_16 : f32
    %mul3A_19 = arith.mulf %mul3A_15, %sub3A_18 : f32
    %mul3A_20 = arith.mulf %reduce_sum3A_9, %mul3A_19 : f32
    %sub3A_21 = arith.constant 2.000000e+00 : f32
    %sub3A_22 = arith.subf %sub3A_21, %mul3A_20 : f32
    %mul3A_23 = arith.mulf %mul3A_19, %sub3A_22 : f32
    %gt3A = arith.constant 0.000000e+00 : f32
    %gt3A_24 = arith.cmpf ogt, %reduce_sum3A_9, %gt3A : f32
    %jit3A = arith.constant 1.000000e+00 : f32
    %select_n3A = arith.select %gt3A_24, %mul3A_23, %jit3A : f32
    %broadcast_in_dim3A_25 = arith.constant 0.000000e+00 : f32
    %broadcast_in_dim3A_26 = vector.broadcast %broadcast_in_dim3A_25 : f32 to vector<16xf32>
    %scan3A_27 = arith.constant 0 : i32
    %scan3A_28 = arith.constant 32 : i32
    %scan3A_29 = arith.addi %scan3A_27, %scan3A_28 : i32
    %scan3A_30 = arith.constant 1 : i32
    %scan3A_31 = scf.for %scan3A_62 = %scan3A_27 to %scan3A_29 step %scan3A_30 iter_args(%scan3A_63 = %broadcast_in_dim3A_26) -> (vector<16xf32>)  : i32 {
      %mul3A_64 = arith.constant 1536 : i32
      %mul3A_65 = arith.muli %scan3A_62, %mul3A_64 : i32
      %mul3A_66 = arith.constant 48 : i32
      %mul3A_67 = arith.muli %add3A, %mul3A_66 : i32
      %add3A_68 = arith.addi %mul3A_65, %mul3A_67 : i32
      %add3A_69 = arith.constant 0 : i32
      %add3A_70 = arith.addi %add3A_68, %add3A_69 : i32
      %get3A = arith.index_cast %add3A_70 : i32 to index
      %get3A_71 = tpu.vector_load %arg4[%get3A] {strides = array<i32>} : memref<49152xf32, #tpu.memory_space<vmem>>, vector<16xf32>,
      %add3A_72 = arith.addf %scan3A_63, %get3A_71 : vector<16xf32>
      scf.yield %add3A_72 : vector<16xf32>
    }
    %scan3A_32 = arith.constant 32 : i32
    %mul3A_33 = vector.broadcast %select_n3A : f32 to vector<16xf32>
    %mul3A_34 = arith.mulf %scan3A_31, %mul3A_33 : vector<16xf32>
    %swap3A = arith.constant 0 : index
    %swap3A_35 = tpu.vector_load %arg5[%swap3A] {strides = array<i32>} : memref<48xf32, #tpu.memory_space<vmem>>, vector<16xf32>,
    tpu.vector_store %arg5[%swap3A], %mul3A_34 {strides = array<i32>} : memref<48xf32, #tpu.memory_space<vmem>>, vector<16xf32>,
    %broadcast_in_dim3A_36 = arith.constant 0.000000e+00 : f32
    %broadcast_in_dim3A_37 = vector.broadcast %broadcast_in_dim3A_36 : f32 to vector<16xf32>
    %scan3A_38 = arith.constant 0 : i32
    %scan3A_39 = arith.constant 32 : i32
    %scan3A_40 = arith.addi %scan3A_38, %scan3A_39 : i32
    %scan3A_41 = arith.constant 1 : i32
    %scan3A_42 = scf.for %scan3A_62 = %scan3A_38 to %scan3A_40 step %scan3A_41 iter_args(%scan3A_63 = %broadcast_in_dim3A_37) -> (vector<16xf32>)  : i32 {
      %mul3A_64 = arith.constant 1536 : i32
      %mul3A_65 = arith.muli %scan3A_62, %mul3A_64 : i32
      %mul3A_66 = arith.constant 48 : i32
      %mul3A_67 = arith.muli %add3A, %mul3A_66 : i32
      %add3A_68 = arith.addi %mul3A_65, %mul3A_67 : i32
      %add3A_69 = arith.constant 16 : i32
      %add3A_70 = arith.addi %add3A_68, %add3A_69 : i32
      %get3A = arith.index_cast %add3A_70 : i32 to index
      %get3A_71 = tpu.vector_load %arg4[%get3A] {strides = array<i32>} : memref<49152xf32, #tpu.memory_space<vmem>>, vector<16xf32>,
      %add3A_72 = arith.addf %scan3A_63, %get3A_71 : vector<16xf32>
      scf.yield %add3A_72 : vector<16xf32>
    }
    %scan3A_43 = arith.constant 32 : i32
    %mul3A_44 = vector.broadcast %select_n3A : f32 to vector<16xf32>
    %mul3A_45 = arith.mulf %scan3A_42, %mul3A_44 : vector<16xf32>
    %swap3A_46 = arith.constant 16 : index
    %swap3A_47 = tpu.vector_load %arg5[%swap3A_46] {strides = array<i32>} : memref<48xf32, #tpu.memory_space<vmem>>, vector<16xf32>,
    tpu.vector_store %arg5[%swap3A_46], %mul3A_45 {strides = array<i32>} : memref<48xf32, #tpu.memory_space<vmem>>, vector<16xf32>,
    %broadcast_in_dim3A_48 = arith.constant 0.000000e+00 : f32
    %broadcast_in_dim3A_49 = vector.broadcast %broadcast_in_dim3A_48 : f32 to vector<16xf32>
    %scan3A_50 = arith.constant 0 : i32
    %scan3A_51 = arith.constant 32 : i32
    %scan3A_52 = arith.addi %scan3A_50, %scan3A_51 : i32
    %scan3A_53 = arith.constant 1 : i32
    %scan3A_54 = scf.for %scan3A_62 = %scan3A_50 to %scan3A_52 step %scan3A_53 iter_args(%scan3A_63 = %broadcast_in_dim3A_49) -> (vector<16xf32>)  : i32 {
      %mul3A_64 = arith.constant 1536 : i32
      %mul3A_65 = arith.muli %scan3A_62, %mul3A_64 : i32
      %mul3A_66 = arith.constant 48 : i32
      %mul3A_67 = arith.muli %add3A, %mul3A_66 : i32
      %add3A_68 = arith.addi %mul3A_65, %mul3A_67 : i32
      %add3A_69 = arith.constant 32 : i32
      %add3A_70 = arith.addi %add3A_68, %add3A_69 : i32
      %get3A = arith.index_cast %add3A_70 : i32 to index
      %get3A_71 = tpu.vector_load %arg4[%get3A] {strides = array<i32>} : memref<49152xf32, #tpu.memory_space<vmem>>, vector<16xf32>,
      %add3A_72 = arith.addf %scan3A_63, %get3A_71 : vector<16xf32>
      scf.yield %add3A_72 : vector<16xf32>
    }
    %scan3A_55 = arith.constant 32 : i32
    %mul3A_56 = vector.broadcast %select_n3A : f32 to vector<16xf32>
    %mul3A_57 = arith.mulf %scan3A_54, %mul3A_56 : vector<16xf32>
    %swap3A_58 = arith.constant 32 : index
    %swap3A_59 = tpu.vector_load %arg5[%swap3A_58] {strides = array<i32>} : memref<48xf32, #tpu.memory_space<vmem>>, vector<16xf32>,
    tpu.vector_store %arg5[%swap3A_58], %mul3A_57 {strides = array<i32>} : memref<48xf32, #tpu.memory_space<vmem>>, vector<16xf32>,
    %mul3A_60 = arith.constant 48 : i32
    %mul3A_61 = arith.muli %add3A, %mul3A_60 : i32
    "tpu.region"() ({
      %run_scoped3A = tpu.sem_alloc : memref<!tpu.dma_semaphore, #tpu.memory_space<semaphore_mem>>
      %dma_start3A = tpu.memref_slice %arg3[%mul3A_61] : memref<1536xf32, #tpu.memory_space<hbm>> -> memref<48xf32, #tpu.memory_space<hbm>>
      %dma_start3A_62 = tpu.memref_slice %arg3[%mul3A_61] : memref<1536xf32, #tpu.memory_space<hbm>> -> memref<48xf32, #tpu.memory_space<hbm>>
      tpu.enqueue_dma source(%arg5 : memref<48xf32, #tpu.memory_space<vmem>>) target(%dma_start3A_62 : memref<48xf32, #tpu.memory_space<hbm>>) target_semaphore(%run_scoped3A : memref<!tpu.dma_semaphore, #tpu.memory_space<semaphore_mem>>)
      %dma_wait3A = tpu.memref_slice %arg3[%mul3A_61] : memref<1536xf32, #tpu.memory_space<hbm>> -> memref<48xf32, #tpu.memory_space<hbm>>
      %dma_wait3A_63 = tpu.memref_slice %arg3[%mul3A_61] : memref<1536xf32, #tpu.memory_space<hbm>> -> memref<48xf32, #tpu.memory_space<hbm>>
      tpu.wait_dma2 semaphore(%run_scoped3A : memref<!tpu.dma_semaphore, #tpu.memory_space<semaphore_mem>>) src(%arg5 : memref<48xf32, #tpu.memory_space<vmem>>) dst(%dma_wait3A_63 : memref<48xf32, #tpu.memory_space<hbm>>)
      tpu.yield
    }) : () -> ()
    return
  }
}

#map = affine_map<(d0, d1) -> (0)>
#map1 = affine_map<(d0, d1) -> (0, 0)>
module attributes {stable_mosaic.version = 14 : i64} {
  func.func @_hist_stage1(%arg0: i32, %arg1: i32, %arg2: memref<33554432xf32, #tpu.memory_space<hbm>>, %arg3: memref<32x1536xf32, #tpu.memory_space<hbm>>, %arg4: memref<16384xf32, #tpu.memory_space<vmem>>, %arg5: memref<24576xf32, #tpu.memory_space<vmem>>, %arg6: memref<1536xf32, #tpu.memory_space<vmem>>) attributes {dimension_semantics = [#tpu.dimension_semantics<core_parallel>, #tpu.dimension_semantics<subcore_parallel>], iteration_bounds = array<i64: 2, 16>, scalar_prefetch = 0 : i64, scratch_operands = 3 : i64, tpu.core_type = #tpu.core_type<sc_vector_subcore>, window_params = [{transform_indices = #map}, {transform_indices = #map1}]} {
    %mul3A = arith.constant 2 : i32
    %mul3A_0 = arith.muli %arg1, %mul3A : i32
    %add3A = arith.addi %mul3A_0, %arg0 : i32
    %iota3A = tpu.iota {dimensions = array<i32: 0>} : vector<16xi32>
    %mul3A_1 = arith.constant 4 : i32
    %mul3A_2 = vector.broadcast %mul3A_1 : i32 to vector<16xi32>
    %mul3A_3 = arith.muli %iota3A, %mul3A_2 : vector<16xi32>
    %broadcast_in_dim3A = arith.constant 0.000000e+00 : f32
    %broadcast_in_dim3A_4 = vector.broadcast %broadcast_in_dim3A : f32 to vector<16xf32>
    %broadcast_in_dim3A_5 = arith.constant 1.000000e+00 : f32
    %broadcast_in_dim3A_6 = vector.broadcast %broadcast_in_dim3A_5 : f32 to vector<16xf32>
    %scan3A = arith.constant 0 : i32
    %scan3A_7 = arith.constant 0 : i32
    %scan3A_8 = arith.constant 1536 : i32
    %scan3A_9 = arith.addi %scan3A_7, %scan3A_8 : i32
    %scan3A_10 = arith.constant 1 : i32
    scf.for %scan3A_26 = %scan3A_7 to %scan3A_9 step %scan3A_10  : i32 {
      %mul3A_27 = arith.constant 16 : i32
      %mul3A_28 = arith.muli %scan3A_26, %mul3A_27 : i32
      %swap3A = arith.index_cast %mul3A_28 : i32 to index
      %swap3A_29 = tpu.vector_load %arg5[%swap3A] {strides = array<i32>} : memref<24576xf32, #tpu.memory_space<vmem>>, vector<16xf32>,
      tpu.vector_store %arg5[%swap3A], %broadcast_in_dim3A_4 {strides = array<i32>} : memref<24576xf32, #tpu.memory_space<vmem>>, vector<16xf32>,
    }
    %scan3A_11 = arith.constant 1536 : i32
    %mul3A_12 = arith.constant 1048576 : i32
    %mul3A_13 = arith.muli %add3A, %mul3A_12 : i32
    %scan3A_14 = arith.constant 0 : i32
    %scan3A_15 = arith.constant 0 : i32
    %scan3A_16 = arith.constant 64 : i32
    %scan3A_17 = arith.addi %scan3A_15, %scan3A_16 : i32
    %scan3A_18 = arith.constant 1 : i32
    scf.for %scan3A_26 = %scan3A_15 to %scan3A_17 step %scan3A_18  : i32 {
      %mul3A_27 = arith.constant 16384 : i32
      %mul3A_28 = arith.muli %scan3A_26, %mul3A_27 : i32
      %add3A_29 = arith.addi %mul3A_13, %mul3A_28 : i32
      "tpu.region"() ({
        %run_scoped3A = tpu.sem_alloc : memref<!tpu.dma_semaphore, #tpu.memory_space<semaphore_mem>>
        %dma_start3A = tpu.memref_slice %arg2[%add3A_29] : memref<33554432xf32, #tpu.memory_space<hbm>> -> memref<16384xf32, #tpu.memory_space<hbm>>
        %dma_start3A_36 = tpu.memref_slice %arg2[%add3A_29] : memref<33554432xf32, #tpu.memory_space<hbm>> -> memref<16384xf32, #tpu.memory_space<hbm>>
        tpu.enqueue_dma source(%dma_start3A_36 : memref<16384xf32, #tpu.memory_space<hbm>>) target(%arg4 : memref<16384xf32, #tpu.memory_space<vmem>>) target_semaphore(%run_scoped3A : memref<!tpu.dma_semaphore, #tpu.memory_space<semaphore_mem>>)
        %dma_wait3A = tpu.memref_slice %arg2[%add3A_29] : memref<33554432xf32, #tpu.memory_space<hbm>> -> memref<16384xf32, #tpu.memory_space<hbm>>
        %dma_wait3A_37 = tpu.memref_slice %arg2[%add3A_29] : memref<33554432xf32, #tpu.memory_space<hbm>> -> memref<16384xf32, #tpu.memory_space<hbm>>
        tpu.wait_dma2 semaphore(%run_scoped3A : memref<!tpu.dma_semaphore, #tpu.memory_space<semaphore_mem>>) src(%dma_wait3A_37 : memref<16384xf32, #tpu.memory_space<hbm>>) dst(%arg4 : memref<16384xf32, #tpu.memory_space<vmem>>)
        tpu.yield
      }) : () -> ()
      %scan3A_30 = arith.constant 0 : i32
      %scan3A_31 = arith.constant 0 : i32
      %scan3A_32 = arith.constant 256 : i32
      %scan3A_33 = arith.addi %scan3A_31, %scan3A_32 : i32
      %scan3A_34 = arith.constant 4 : i32
      scf.for %scan3A_36 = %scan3A_31 to %scan3A_33 step %scan3A_34  : i32 {
        %mul3A_37 = arith.constant 64 : i32
        %mul3A_38 = arith.muli %scan3A_36, %mul3A_37 : i32
        %add3A_39 = vector.broadcast %mul3A_38 : i32 to vector<16xi32>
        %add3A_40 = arith.addi %mul3A_3, %add3A_39 : vector<16xi32>
        %gather3A = tpu.vector_load_idx %arg4[%add3A_40] : memref<16384xf32, #tpu.memory_space<vmem>>[vector<16xi32>], vector<16xf32>,
        %add3A_41 = arith.constant 1 : i32
        %add3A_42 = arith.addi %mul3A_38, %add3A_41 : i32
        %add3A_43 = vector.broadcast %add3A_42 : i32 to vector<16xi32>
        %add3A_44 = arith.addi %mul3A_3, %add3A_43 : vector<16xi32>
        %gather3A_45 = tpu.vector_load_idx %arg4[%add3A_44] : memref<16384xf32, #tpu.memory_space<vmem>>[vector<16xi32>], vector<16xf32>,
        %add3A_46 = arith.constant 3 : i32
        %add3A_47 = arith.addi %mul3A_38, %add3A_46 : i32
        %add3A_48 = vector.broadcast %add3A_47 : i32 to vector<16xi32>
        %add3A_49 = arith.addi %mul3A_3, %add3A_48 : vector<16xi32>
        %gather3A_50 = tpu.vector_load_idx %arg4[%add3A_49] : memref<16384xf32, #tpu.memory_space<vmem>>[vector<16xi32>], vector<16xf32>,
        %mul3A_51 = arith.constant 5.000000e-02 : f32
        %mul3A_52 = vector.broadcast %mul3A_51 : f32 to vector<16xf32>
        %mul3A_53 = arith.mulf %gather3A, %mul3A_52 : vector<16xf32>
        %convert_element_type3A = arith.fptosi %mul3A_53 : vector<16xf32> to vector<16xi32>
        %jit3A = arith.constant 0 : i32
        %jit3A_54 = arith.constant 31 : i32
        %max3A = vector.broadcast %jit3A : i32 to vector<16xi32>
        %max3A_55 = arith.maxsi %max3A, %convert_element_type3A : vector<16xi32>
        %min3A = vector.broadcast %jit3A_54 : i32 to vector<16xi32>
        %min3A_56 = arith.minsi %min3A, %max3A_55 : vector<16xi32>
        %mul3A_57 = arith.constant 5.000000e-02 : f32
        %mul3A_58 = vector.broadcast %mul3A_57 : f32 to vector<16xf32>
        %mul3A_59 = arith.mulf %gather3A_45, %mul3A_58 : vector<16xf32>
        %convert_element_type3A_60 = arith.fptosi %mul3A_59 : vector<16xf32> to vector<16xi32>
        %jit3A_61 = arith.constant 0 : i32
        %jit3A_62 = arith.constant 23 : i32
        %max3A_63 = vector.broadcast %jit3A_61 : i32 to vector<16xi32>
        %max3A_64 = arith.maxsi %max3A_63, %convert_element_type3A_60 : vector<16xi32>
        %min3A_65 = vector.broadcast %jit3A_62 : i32 to vector<16xi32>
        %min3A_66 = arith.minsi %min3A_65, %max3A_64 : vector<16xi32>
        %mul3A_67 = arith.constant 32 : i32
        %mul3A_68 = vector.broadcast %mul3A_67 : i32 to vector<16xi32>
        %mul3A_69 = arith.muli %min3A_66, %mul3A_68 : vector<16xi32>
        %add3A_70 = arith.addi %mul3A_69, %min3A_56 : vector<16xi32>
        %gt3A = arith.constant 0.000000e+00 : f32
        %gt3A_71 = vector.broadcast %gt3A : f32 to vector<16xf32>
        %gt3A_72 = arith.cmpf ogt, %gather3A_50, %gt3A_71 : vector<16xf32>
        %add3A_73 = arith.constant 768 : i32
        %add3A_74 = vector.broadcast %add3A_73 : i32 to vector<16xi32>
        %add3A_75 = arith.addi %add3A_70, %add3A_74 : vector<16xi32>
        %select_n3A = arith.select %gt3A_72, %add3A_70, %add3A_75 : vector<16xi1>, vector<16xi32>
        %mul3A_76 = arith.constant 16 : i32
        %mul3A_77 = vector.broadcast %mul3A_76 : i32 to vector<16xi32>
        %mul3A_78 = arith.muli %select_n3A, %mul3A_77 : vector<16xi32>
        %add3A_79 = arith.addi %mul3A_78, %iota3A : vector<16xi32>
        tpu.vector_store_idx %arg5[%add3A_79], %broadcast_in_dim3A_6 {add = true} : memref<24576xf32, #tpu.memory_space<vmem>>[vector<16xi32>], vector<16xf32>,
        %scan3A_80 = arith.constant 1 : i32
        %scan3A_81 = arith.addi %scan3A_36, %scan3A_80 : i32
        %mul3A_82 = arith.constant 64 : i32
        %mul3A_83 = arith.muli %scan3A_81, %mul3A_82 : i32
        %add3A_84 = vector.broadcast %mul3A_83 : i32 to vector<16xi32>
        %add3A_85 = arith.addi %mul3A_3, %add3A_84 : vector<16xi32>
        %gather3A_86 = tpu.vector_load_idx %arg4[%add3A_85] : memref<16384xf32, #tpu.memory_space<vmem>>[vector<16xi32>], vector<16xf32>,
        %add3A_87 = arith.constant 1 : i32
        %add3A_88 = arith.addi %mul3A_83, %add3A_87 : i32
        %add3A_89 = vector.broadcast %add3A_88 : i32 to vector<16xi32>
        %add3A_90 = arith.addi %mul3A_3, %add3A_89 : vector<16xi32>
        %gather3A_91 = tpu.vector_load_idx %arg4[%add3A_90] : memref<16384xf32, #tpu.memory_space<vmem>>[vector<16xi32>], vector<16xf32>,
        %add3A_92 = arith.constant 3 : i32
        %add3A_93 = arith.addi %mul3A_83, %add3A_92 : i32
        %add3A_94 = vector.broadcast %add3A_93 : i32 to vector<16xi32>
        %add3A_95 = arith.addi %mul3A_3, %add3A_94 : vector<16xi32>
        %gather3A_96 = tpu.vector_load_idx %arg4[%add3A_95] : memref<16384xf32, #tpu.memory_space<vmem>>[vector<16xi32>], vector<16xf32>,
        %mul3A_97 = arith.constant 5.000000e-02 : f32
        %mul3A_98 = vector.broadcast %mul3A_97 : f32 to vector<16xf32>
        %mul3A_99 = arith.mulf %gather3A_86, %mul3A_98 : vector<16xf32>
        %convert_element_type3A_100 = arith.fptosi %mul3A_99 : vector<16xf32> to vector<16xi32>
        %jit3A_101 = arith.constant 0 : i32
        %jit3A_102 = arith.constant 31 : i32
        %max3A_103 = vector.broadcast %jit3A_101 : i32 to vector<16xi32>
        %max3A_104 = arith.maxsi %max3A_103, %convert_element_type3A_100 : vector<16xi32>
        %min3A_105 = vector.broadcast %jit3A_102 : i32 to vector<16xi32>
        %min3A_106 = arith.minsi %min3A_105, %max3A_104 : vector<16xi32>
        %mul3A_107 = arith.constant 5.000000e-02 : f32
        %mul3A_108 = vector.broadcast %mul3A_107 : f32 to vector<16xf32>
        %mul3A_109 = arith.mulf %gather3A_91, %mul3A_108 : vector<16xf32>
        %convert_element_type3A_110 = arith.fptosi %mul3A_109 : vector<16xf32> to vector<16xi32>
        %jit3A_111 = arith.constant 0 : i32
        %jit3A_112 = arith.constant 23 : i32
        %max3A_113 = vector.broadcast %jit3A_111 : i32 to vector<16xi32>
        %max3A_114 = arith.maxsi %max3A_113, %convert_element_type3A_110 : vector<16xi32>
        %min3A_115 = vector.broadcast %jit3A_112 : i32 to vector<16xi32>
        %min3A_116 = arith.minsi %min3A_115, %max3A_114 : vector<16xi32>
        %mul3A_117 = arith.constant 32 : i32
        %mul3A_118 = vector.broadcast %mul3A_117 : i32 to vector<16xi32>
        %mul3A_119 = arith.muli %min3A_116, %mul3A_118 : vector<16xi32>
        %add3A_120 = arith.addi %mul3A_119, %min3A_106 : vector<16xi32>
        %gt3A_121 = arith.constant 0.000000e+00 : f32
        %gt3A_122 = vector.broadcast %gt3A_121 : f32 to vector<16xf32>
        %gt3A_123 = arith.cmpf ogt, %gather3A_96, %gt3A_122 : vector<16xf32>
        %add3A_124 = arith.constant 768 : i32
        %add3A_125 = vector.broadcast %add3A_124 : i32 to vector<16xi32>
        %add3A_126 = arith.addi %add3A_120, %add3A_125 : vector<16xi32>
        %select_n3A_127 = arith.select %gt3A_123, %add3A_120, %add3A_126 : vector<16xi1>, vector<16xi32>
        %mul3A_128 = arith.constant 16 : i32
        %mul3A_129 = vector.broadcast %mul3A_128 : i32 to vector<16xi32>
        %mul3A_130 = arith.muli %select_n3A_127, %mul3A_129 : vector<16xi32>
        %add3A_131 = arith.addi %mul3A_130, %iota3A : vector<16xi32>
        tpu.vector_store_idx %arg5[%add3A_131], %broadcast_in_dim3A_6 {add = true} : memref<24576xf32, #tpu.memory_space<vmem>>[vector<16xi32>], vector<16xf32>,
        %scan3A_132 = arith.constant 2 : i32
        %scan3A_133 = arith.addi %scan3A_36, %scan3A_132 : i32
        %mul3A_134 = arith.constant 64 : i32
        %mul3A_135 = arith.muli %scan3A_133, %mul3A_134 : i32
        %add3A_136 = vector.broadcast %mul3A_135 : i32 to vector<16xi32>
        %add3A_137 = arith.addi %mul3A_3, %add3A_136 : vector<16xi32>
        %gather3A_138 = tpu.vector_load_idx %arg4[%add3A_137] : memref<16384xf32, #tpu.memory_space<vmem>>[vector<16xi32>], vector<16xf32>,
        %add3A_139 = arith.constant 1 : i32
        %add3A_140 = arith.addi %mul3A_135, %add3A_139 : i32
        %add3A_141 = vector.broadcast %add3A_140 : i32 to vector<16xi32>
        %add3A_142 = arith.addi %mul3A_3, %add3A_141 : vector<16xi32>
        %gather3A_143 = tpu.vector_load_idx %arg4[%add3A_142] : memref<16384xf32, #tpu.memory_space<vmem>>[vector<16xi32>], vector<16xf32>,
        %add3A_144 = arith.constant 3 : i32
        %add3A_145 = arith.addi %mul3A_135, %add3A_144 : i32
        %add3A_146 = vector.broadcast %add3A_145 : i32 to vector<16xi32>
        %add3A_147 = arith.addi %mul3A_3, %add3A_146 : vector<16xi32>
        %gather3A_148 = tpu.vector_load_idx %arg4[%add3A_147] : memref<16384xf32, #tpu.memory_space<vmem>>[vector<16xi32>], vector<16xf32>,
        %mul3A_149 = arith.constant 5.000000e-02 : f32
        %mul3A_150 = vector.broadcast %mul3A_149 : f32 to vector<16xf32>
        %mul3A_151 = arith.mulf %gather3A_138, %mul3A_150 : vector<16xf32>
        %convert_element_type3A_152 = arith.fptosi %mul3A_151 : vector<16xf32> to vector<16xi32>
        %jit3A_153 = arith.constant 0 : i32
        %jit3A_154 = arith.constant 31 : i32
        %max3A_155 = vector.broadcast %jit3A_153 : i32 to vector<16xi32>
        %max3A_156 = arith.maxsi %max3A_155, %convert_element_type3A_152 : vector<16xi32>
        %min3A_157 = vector.broadcast %jit3A_154 : i32 to vector<16xi32>
        %min3A_158 = arith.minsi %min3A_157, %max3A_156 : vector<16xi32>
        %mul3A_159 = arith.constant 5.000000e-02 : f32
        %mul3A_160 = vector.broadcast %mul3A_159 : f32 to vector<16xf32>
        %mul3A_161 = arith.mulf %gather3A_143, %mul3A_160 : vector<16xf32>
        %convert_element_type3A_162 = arith.fptosi %mul3A_161 : vector<16xf32> to vector<16xi32>
        %jit3A_163 = arith.constant 0 : i32
        %jit3A_164 = arith.constant 23 : i32
        %max3A_165 = vector.broadcast %jit3A_163 : i32 to vector<16xi32>
        %max3A_166 = arith.maxsi %max3A_165, %convert_element_type3A_162 : vector<16xi32>
        %min3A_167 = vector.broadcast %jit3A_164 : i32 to vector<16xi32>
        %min3A_168 = arith.minsi %min3A_167, %max3A_166 : vector<16xi32>
        %mul3A_169 = arith.constant 32 : i32
        %mul3A_170 = vector.broadcast %mul3A_169 : i32 to vector<16xi32>
        %mul3A_171 = arith.muli %min3A_168, %mul3A_170 : vector<16xi32>
        %add3A_172 = arith.addi %mul3A_171, %min3A_158 : vector<16xi32>
        %gt3A_173 = arith.constant 0.000000e+00 : f32
        %gt3A_174 = vector.broadcast %gt3A_173 : f32 to vector<16xf32>
        %gt3A_175 = arith.cmpf ogt, %gather3A_148, %gt3A_174 : vector<16xf32>
        %add3A_176 = arith.constant 768 : i32
        %add3A_177 = vector.broadcast %add3A_176 : i32 to vector<16xi32>
        %add3A_178 = arith.addi %add3A_172, %add3A_177 : vector<16xi32>
        %select_n3A_179 = arith.select %gt3A_175, %add3A_172, %add3A_178 : vector<16xi1>, vector<16xi32>
        %mul3A_180 = arith.constant 16 : i32
        %mul3A_181 = vector.broadcast %mul3A_180 : i32 to vector<16xi32>
        %mul3A_182 = arith.muli %select_n3A_179, %mul3A_181 : vector<16xi32>
        %add3A_183 = arith.addi %mul3A_182, %iota3A : vector<16xi32>
        tpu.vector_store_idx %arg5[%add3A_183], %broadcast_in_dim3A_6 {add = true} : memref<24576xf32, #tpu.memory_space<vmem>>[vector<16xi32>], vector<16xf32>,
        %scan3A_184 = arith.constant 3 : i32
        %scan3A_185 = arith.addi %scan3A_36, %scan3A_184 : i32
        %mul3A_186 = arith.constant 64 : i32
        %mul3A_187 = arith.muli %scan3A_185, %mul3A_186 : i32
        %add3A_188 = vector.broadcast %mul3A_187 : i32 to vector<16xi32>
        %add3A_189 = arith.addi %mul3A_3, %add3A_188 : vector<16xi32>
        %gather3A_190 = tpu.vector_load_idx %arg4[%add3A_189] : memref<16384xf32, #tpu.memory_space<vmem>>[vector<16xi32>], vector<16xf32>,
        %add3A_191 = arith.constant 1 : i32
        %add3A_192 = arith.addi %mul3A_187, %add3A_191 : i32
        %add3A_193 = vector.broadcast %add3A_192 : i32 to vector<16xi32>
        %add3A_194 = arith.addi %mul3A_3, %add3A_193 : vector<16xi32>
        %gather3A_195 = tpu.vector_load_idx %arg4[%add3A_194] : memref<16384xf32, #tpu.memory_space<vmem>>[vector<16xi32>], vector<16xf32>,
        %add3A_196 = arith.constant 3 : i32
        %add3A_197 = arith.addi %mul3A_187, %add3A_196 : i32
        %add3A_198 = vector.broadcast %add3A_197 : i32 to vector<16xi32>
        %add3A_199 = arith.addi %mul3A_3, %add3A_198 : vector<16xi32>
        %gather3A_200 = tpu.vector_load_idx %arg4[%add3A_199] : memref<16384xf32, #tpu.memory_space<vmem>>[vector<16xi32>], vector<16xf32>,
        %mul3A_201 = arith.constant 5.000000e-02 : f32
        %mul3A_202 = vector.broadcast %mul3A_201 : f32 to vector<16xf32>
        %mul3A_203 = arith.mulf %gather3A_190, %mul3A_202 : vector<16xf32>
        %convert_element_type3A_204 = arith.fptosi %mul3A_203 : vector<16xf32> to vector<16xi32>
        %jit3A_205 = arith.constant 0 : i32
        %jit3A_206 = arith.constant 31 : i32
        %max3A_207 = vector.broadcast %jit3A_205 : i32 to vector<16xi32>
        %max3A_208 = arith.maxsi %max3A_207, %convert_element_type3A_204 : vector<16xi32>
        %min3A_209 = vector.broadcast %jit3A_206 : i32 to vector<16xi32>
        %min3A_210 = arith.minsi %min3A_209, %max3A_208 : vector<16xi32>
        %mul3A_211 = arith.constant 5.000000e-02 : f32
        %mul3A_212 = vector.broadcast %mul3A_211 : f32 to vector<16xf32>
        %mul3A_213 = arith.mulf %gather3A_195, %mul3A_212 : vector<16xf32>
        %convert_element_type3A_214 = arith.fptosi %mul3A_213 : vector<16xf32> to vector<16xi32>
        %jit3A_215 = arith.constant 0 : i32
        %jit3A_216 = arith.constant 23 : i32
        %max3A_217 = vector.broadcast %jit3A_215 : i32 to vector<16xi32>
        %max3A_218 = arith.maxsi %max3A_217, %convert_element_type3A_214 : vector<16xi32>
        %min3A_219 = vector.broadcast %jit3A_216 : i32 to vector<16xi32>
        %min3A_220 = arith.minsi %min3A_219, %max3A_218 : vector<16xi32>
        %mul3A_221 = arith.constant 32 : i32
        %mul3A_222 = vector.broadcast %mul3A_221 : i32 to vector<16xi32>
        %mul3A_223 = arith.muli %min3A_220, %mul3A_222 : vector<16xi32>
        %add3A_224 = arith.addi %mul3A_223, %min3A_210 : vector<16xi32>
        %gt3A_225 = arith.constant 0.000000e+00 : f32
        %gt3A_226 = vector.broadcast %gt3A_225 : f32 to vector<16xf32>
        %gt3A_227 = arith.cmpf ogt, %gather3A_200, %gt3A_226 : vector<16xf32>
        %add3A_228 = arith.constant 768 : i32
        %add3A_229 = vector.broadcast %add3A_228 : i32 to vector<16xi32>
        %add3A_230 = arith.addi %add3A_224, %add3A_229 : vector<16xi32>
        %select_n3A_231 = arith.select %gt3A_227, %add3A_224, %add3A_230 : vector<16xi1>, vector<16xi32>
        %mul3A_232 = arith.constant 16 : i32
        %mul3A_233 = vector.broadcast %mul3A_232 : i32 to vector<16xi32>
        %mul3A_234 = arith.muli %select_n3A_231, %mul3A_233 : vector<16xi32>
        %add3A_235 = arith.addi %mul3A_234, %iota3A : vector<16xi32>
        tpu.vector_store_idx %arg5[%add3A_235], %broadcast_in_dim3A_6 {add = true} : memref<24576xf32, #tpu.memory_space<vmem>>[vector<16xi32>], vector<16xf32>,
      }
      %scan3A_35 = arith.constant 256 : i32
    }
    %scan3A_19 = arith.constant 64 : i32
    %scan3A_20 = arith.constant 0 : i32
    %scan3A_21 = arith.constant 0 : i32
    %scan3A_22 = arith.constant 96 : i32
    %scan3A_23 = arith.addi %scan3A_21, %scan3A_22 : i32
    %scan3A_24 = arith.constant 1 : i32
    scf.for %scan3A_26 = %scan3A_21 to %scan3A_23 step %scan3A_24  : i32 {
      %mul3A_27 = arith.constant 256 : i32
      %mul3A_28 = arith.muli %scan3A_26, %mul3A_27 : i32
      %mul3A_29 = arith.constant 16 : i32
      %mul3A_30 = vector.broadcast %mul3A_29 : i32 to vector<16xi32>
      %mul3A_31 = arith.muli %iota3A, %mul3A_30 : vector<16xi32>
      %add3A_32 = vector.broadcast %mul3A_28 : i32 to vector<16xi32>
      %add3A_33 = arith.addi %add3A_32, %mul3A_31 : vector<16xi32>
      %add3A_34 = arith.constant 0 : i32
      %add3A_35 = vector.broadcast %add3A_34 : i32 to vector<16xi32>
      %add3A_36 = arith.addi %add3A_33, %add3A_35 : vector<16xi32>
      %gather3A = tpu.vector_load_idx %arg5[%add3A_36] : memref<24576xf32, #tpu.memory_space<vmem>>[vector<16xi32>], vector<16xf32>,
      %add3A_37 = arith.addf %broadcast_in_dim3A_4, %gather3A : vector<16xf32>
      %mul3A_38 = arith.constant 16 : i32
      %mul3A_39 = vector.broadcast %mul3A_38 : i32 to vector<16xi32>
      %mul3A_40 = arith.muli %iota3A, %mul3A_39 : vector<16xi32>
      %add3A_41 = vector.broadcast %mul3A_28 : i32 to vector<16xi32>
      %add3A_42 = arith.addi %add3A_41, %mul3A_40 : vector<16xi32>
      %add3A_43 = arith.constant 1 : i32
      %add3A_44 = vector.broadcast %add3A_43 : i32 to vector<16xi32>
      %add3A_45 = arith.addi %add3A_42, %add3A_44 : vector<16xi32>
      %gather3A_46 = tpu.vector_load_idx %arg5[%add3A_45] : memref<24576xf32, #tpu.memory_space<vmem>>[vector<16xi32>], vector<16xf32>,
      %add3A_47 = arith.addf %add3A_37, %gather3A_46 : vector<16xf32>
      %mul3A_48 = arith.constant 16 : i32
      %mul3A_49 = vector.broadcast %mul3A_48 : i32 to vector<16xi32>
      %mul3A_50 = arith.muli %iota3A, %mul3A_49 : vector<16xi32>
      %add3A_51 = vector.broadcast %mul3A_28 : i32 to vector<16xi32>
      %add3A_52 = arith.addi %add3A_51, %mul3A_50 : vector<16xi32>
      %add3A_53 = arith.constant 2 : i32
      %add3A_54 = vector.broadcast %add3A_53 : i32 to vector<16xi32>
      %add3A_55 = arith.addi %add3A_52, %add3A_54 : vector<16xi32>
      %gather3A_56 = tpu.vector_load_idx %arg5[%add3A_55] : memref<24576xf32, #tpu.memory_space<vmem>>[vector<16xi32>], vector<16xf32>,
      %add3A_57 = arith.addf %add3A_47, %gather3A_56 : vector<16xf32>
      %mul3A_58 = arith.constant 16 : i32
      %mul3A_59 = vector.broadcast %mul3A_58 : i32 to vector<16xi32>
      %mul3A_60 = arith.muli %iota3A, %mul3A_59 : vector<16xi32>
      %add3A_61 = vector.broadcast %mul3A_28 : i32 to vector<16xi32>
      %add3A_62 = arith.addi %add3A_61, %mul3A_60 : vector<16xi32>
      %add3A_63 = arith.constant 3 : i32
      %add3A_64 = vector.broadcast %add3A_63 : i32 to vector<16xi32>
      %add3A_65 = arith.addi %add3A_62, %add3A_64 : vector<16xi32>
      %gather3A_66 = tpu.vector_load_idx %arg5[%add3A_65] : memref<24576xf32, #tpu.memory_space<vmem>>[vector<16xi32>], vector<16xf32>,
      %add3A_67 = arith.addf %add3A_57, %gather3A_66 : vector<16xf32>
      %mul3A_68 = arith.constant 16 : i32
      %mul3A_69 = vector.broadcast %mul3A_68 : i32 to vector<16xi32>
      %mul3A_70 = arith.muli %iota3A, %mul3A_69 : vector<16xi32>
      %add3A_71 = vector.broadcast %mul3A_28 : i32 to vector<16xi32>
      %add3A_72 = arith.addi %add3A_71, %mul3A_70 : vector<16xi32>
      %add3A_73 = arith.constant 4 : i32
      %add3A_74 = vector.broadcast %add3A_73 : i32 to vector<16xi32>
      %add3A_75 = arith.addi %add3A_72, %add3A_74 : vector<16xi32>
      %gather3A_76 = tpu.vector_load_idx %arg5[%add3A_75] : memref<24576xf32, #tpu.memory_space<vmem>>[vector<16xi32>], vector<16xf32>,
      %add3A_77 = arith.addf %add3A_67, %gather3A_76 : vector<16xf32>
      %mul3A_78 = arith.constant 16 : i32
      %mul3A_79 = vector.broadcast %mul3A_78 : i32 to vector<16xi32>
      %mul3A_80 = arith.muli %iota3A, %mul3A_79 : vector<16xi32>
      %add3A_81 = vector.broadcast %mul3A_28 : i32 to vector<16xi32>
      %add3A_82 = arith.addi %add3A_81, %mul3A_80 : vector<16xi32>
      %add3A_83 = arith.constant 5 : i32
      %add3A_84 = vector.broadcast %add3A_83 : i32 to vector<16xi32>
      %add3A_85 = arith.addi %add3A_82, %add3A_84 : vector<16xi32>
      %gather3A_86 = tpu.vector_load_idx %arg5[%add3A_85] : memref<24576xf32, #tpu.memory_space<vmem>>[vector<16xi32>], vector<16xf32>,
      %add3A_87 = arith.addf %add3A_77, %gather3A_86 : vector<16xf32>
      %mul3A_88 = arith.constant 16 : i32
      %mul3A_89 = vector.broadcast %mul3A_88 : i32 to vector<16xi32>
      %mul3A_90 = arith.muli %iota3A, %mul3A_89 : vector<16xi32>
      %add3A_91 = vector.broadcast %mul3A_28 : i32 to vector<16xi32>
      %add3A_92 = arith.addi %add3A_91, %mul3A_90 : vector<16xi32>
      %add3A_93 = arith.constant 6 : i32
      %add3A_94 = vector.broadcast %add3A_93 : i32 to vector<16xi32>
      %add3A_95 = arith.addi %add3A_92, %add3A_94 : vector<16xi32>
      %gather3A_96 = tpu.vector_load_idx %arg5[%add3A_95] : memref<24576xf32, #tpu.memory_space<vmem>>[vector<16xi32>], vector<16xf32>,
      %add3A_97 = arith.addf %add3A_87, %gather3A_96 : vector<16xf32>
      %mul3A_98 = arith.constant 16 : i32
      %mul3A_99 = vector.broadcast %mul3A_98 : i32 to vector<16xi32>
      %mul3A_100 = arith.muli %iota3A, %mul3A_99 : vector<16xi32>
      %add3A_101 = vector.broadcast %mul3A_28 : i32 to vector<16xi32>
      %add3A_102 = arith.addi %add3A_101, %mul3A_100 : vector<16xi32>
      %add3A_103 = arith.constant 7 : i32
      %add3A_104 = vector.broadcast %add3A_103 : i32 to vector<16xi32>
      %add3A_105 = arith.addi %add3A_102, %add3A_104 : vector<16xi32>
      %gather3A_106 = tpu.vector_load_idx %arg5[%add3A_105] : memref<24576xf32, #tpu.memory_space<vmem>>[vector<16xi32>], vector<16xf32>,
      %add3A_107 = arith.addf %add3A_97, %gather3A_106 : vector<16xf32>
      %mul3A_108 = arith.constant 16 : i32
      %mul3A_109 = vector.broadcast %mul3A_108 : i32 to vector<16xi32>
      %mul3A_110 = arith.muli %iota3A, %mul3A_109 : vector<16xi32>
      %add3A_111 = vector.broadcast %mul3A_28 : i32 to vector<16xi32>
      %add3A_112 = arith.addi %add3A_111, %mul3A_110 : vector<16xi32>
      %add3A_113 = arith.constant 8 : i32
      %add3A_114 = vector.broadcast %add3A_113 : i32 to vector<16xi32>
      %add3A_115 = arith.addi %add3A_112, %add3A_114 : vector<16xi32>
      %gather3A_116 = tpu.vector_load_idx %arg5[%add3A_115] : memref<24576xf32, #tpu.memory_space<vmem>>[vector<16xi32>], vector<16xf32>,
      %add3A_117 = arith.addf %add3A_107, %gather3A_116 : vector<16xf32>
      %mul3A_118 = arith.constant 16 : i32
      %mul3A_119 = vector.broadcast %mul3A_118 : i32 to vector<16xi32>
      %mul3A_120 = arith.muli %iota3A, %mul3A_119 : vector<16xi32>
      %add3A_121 = vector.broadcast %mul3A_28 : i32 to vector<16xi32>
      %add3A_122 = arith.addi %add3A_121, %mul3A_120 : vector<16xi32>
      %add3A_123 = arith.constant 9 : i32
      %add3A_124 = vector.broadcast %add3A_123 : i32 to vector<16xi32>
      %add3A_125 = arith.addi %add3A_122, %add3A_124 : vector<16xi32>
      %gather3A_126 = tpu.vector_load_idx %arg5[%add3A_125] : memref<24576xf32, #tpu.memory_space<vmem>>[vector<16xi32>], vector<16xf32>,
      %add3A_127 = arith.addf %add3A_117, %gather3A_126 : vector<16xf32>
      %mul3A_128 = arith.constant 16 : i32
      %mul3A_129 = vector.broadcast %mul3A_128 : i32 to vector<16xi32>
      %mul3A_130 = arith.muli %iota3A, %mul3A_129 : vector<16xi32>
      %add3A_131 = vector.broadcast %mul3A_28 : i32 to vector<16xi32>
      %add3A_132 = arith.addi %add3A_131, %mul3A_130 : vector<16xi32>
      %add3A_133 = arith.constant 10 : i32
      %add3A_134 = vector.broadcast %add3A_133 : i32 to vector<16xi32>
      %add3A_135 = arith.addi %add3A_132, %add3A_134 : vector<16xi32>
      %gather3A_136 = tpu.vector_load_idx %arg5[%add3A_135] : memref<24576xf32, #tpu.memory_space<vmem>>[vector<16xi32>], vector<16xf32>,
      %add3A_137 = arith.addf %add3A_127, %gather3A_136 : vector<16xf32>
      %mul3A_138 = arith.constant 16 : i32
      %mul3A_139 = vector.broadcast %mul3A_138 : i32 to vector<16xi32>
      %mul3A_140 = arith.muli %iota3A, %mul3A_139 : vector<16xi32>
      %add3A_141 = vector.broadcast %mul3A_28 : i32 to vector<16xi32>
      %add3A_142 = arith.addi %add3A_141, %mul3A_140 : vector<16xi32>
      %add3A_143 = arith.constant 11 : i32
      %add3A_144 = vector.broadcast %add3A_143 : i32 to vector<16xi32>
      %add3A_145 = arith.addi %add3A_142, %add3A_144 : vector<16xi32>
      %gather3A_146 = tpu.vector_load_idx %arg5[%add3A_145] : memref<24576xf32, #tpu.memory_space<vmem>>[vector<16xi32>], vector<16xf32>,
      %add3A_147 = arith.addf %add3A_137, %gather3A_146 : vector<16xf32>
      %mul3A_148 = arith.constant 16 : i32
      %mul3A_149 = vector.broadcast %mul3A_148 : i32 to vector<16xi32>
      %mul3A_150 = arith.muli %iota3A, %mul3A_149 : vector<16xi32>
      %add3A_151 = vector.broadcast %mul3A_28 : i32 to vector<16xi32>
      %add3A_152 = arith.addi %add3A_151, %mul3A_150 : vector<16xi32>
      %add3A_153 = arith.constant 12 : i32
      %add3A_154 = vector.broadcast %add3A_153 : i32 to vector<16xi32>
      %add3A_155 = arith.addi %add3A_152, %add3A_154 : vector<16xi32>
      %gather3A_156 = tpu.vector_load_idx %arg5[%add3A_155] : memref<24576xf32, #tpu.memory_space<vmem>>[vector<16xi32>], vector<16xf32>,
      %add3A_157 = arith.addf %add3A_147, %gather3A_156 : vector<16xf32>
      %mul3A_158 = arith.constant 16 : i32
      %mul3A_159 = vector.broadcast %mul3A_158 : i32 to vector<16xi32>
      %mul3A_160 = arith.muli %iota3A, %mul3A_159 : vector<16xi32>
      %add3A_161 = vector.broadcast %mul3A_28 : i32 to vector<16xi32>
      %add3A_162 = arith.addi %add3A_161, %mul3A_160 : vector<16xi32>
      %add3A_163 = arith.constant 13 : i32
      %add3A_164 = vector.broadcast %add3A_163 : i32 to vector<16xi32>
      %add3A_165 = arith.addi %add3A_162, %add3A_164 : vector<16xi32>
      %gather3A_166 = tpu.vector_load_idx %arg5[%add3A_165] : memref<24576xf32, #tpu.memory_space<vmem>>[vector<16xi32>], vector<16xf32>,
      %add3A_167 = arith.addf %add3A_157, %gather3A_166 : vector<16xf32>
      %mul3A_168 = arith.constant 16 : i32
      %mul3A_169 = vector.broadcast %mul3A_168 : i32 to vector<16xi32>
      %mul3A_170 = arith.muli %iota3A, %mul3A_169 : vector<16xi32>
      %add3A_171 = vector.broadcast %mul3A_28 : i32 to vector<16xi32>
      %add3A_172 = arith.addi %add3A_171, %mul3A_170 : vector<16xi32>
      %add3A_173 = arith.constant 14 : i32
      %add3A_174 = vector.broadcast %add3A_173 : i32 to vector<16xi32>
      %add3A_175 = arith.addi %add3A_172, %add3A_174 : vector<16xi32>
      %gather3A_176 = tpu.vector_load_idx %arg5[%add3A_175] : memref<24576xf32, #tpu.memory_space<vmem>>[vector<16xi32>], vector<16xf32>,
      %add3A_177 = arith.addf %add3A_167, %gather3A_176 : vector<16xf32>
      %mul3A_178 = arith.constant 16 : i32
      %mul3A_179 = vector.broadcast %mul3A_178 : i32 to vector<16xi32>
      %mul3A_180 = arith.muli %iota3A, %mul3A_179 : vector<16xi32>
      %add3A_181 = vector.broadcast %mul3A_28 : i32 to vector<16xi32>
      %add3A_182 = arith.addi %add3A_181, %mul3A_180 : vector<16xi32>
      %add3A_183 = arith.constant 15 : i32
      %add3A_184 = vector.broadcast %add3A_183 : i32 to vector<16xi32>
      %add3A_185 = arith.addi %add3A_182, %add3A_184 : vector<16xi32>
      %gather3A_186 = tpu.vector_load_idx %arg5[%add3A_185] : memref<24576xf32, #tpu.memory_space<vmem>>[vector<16xi32>], vector<16xf32>,
      %add3A_187 = arith.addf %add3A_177, %gather3A_186 : vector<16xf32>
      %mul3A_188 = arith.constant 16 : i32
      %mul3A_189 = arith.muli %scan3A_26, %mul3A_188 : i32
      %swap3A = arith.index_cast %mul3A_189 : i32 to index
      %swap3A_190 = tpu.vector_load %arg6[%swap3A] {strides = array<i32>} : memref<1536xf32, #tpu.memory_space<vmem>>, vector<16xf32>,
      tpu.vector_store %arg6[%swap3A], %add3A_187 {strides = array<i32>} : memref<1536xf32, #tpu.memory_space<vmem>>, vector<16xf32>,
    }
    %scan3A_25 = arith.constant 96 : i32
    "tpu.region"() ({
      %run_scoped3A = tpu.sem_alloc : memref<!tpu.dma_semaphore, #tpu.memory_space<semaphore_mem>>
      %dma_start3A = arith.constant 0 : i32
      %dma_start3A_26 = tpu.memref_slice %arg3[%add3A, %dma_start3A] : memref<32x1536xf32, #tpu.memory_space<hbm>> -> memref<1x1536xf32, #tpu.memory_space<hbm>>
      %dma_start3A_27 = tpu.memref_squeeze %dma_start3A_26 : memref<1x1536xf32, #tpu.memory_space<hbm>> -> memref<1536xf32, #tpu.memory_space<hbm>>
      %dma_start3A_28 = arith.constant 0 : i32
      %dma_start3A_29 = tpu.memref_slice %arg3[%add3A, %dma_start3A_28] : memref<32x1536xf32, #tpu.memory_space<hbm>> -> memref<1x1536xf32, #tpu.memory_space<hbm>>
      %dma_start3A_30 = tpu.memref_squeeze %dma_start3A_29 : memref<1x1536xf32, #tpu.memory_space<hbm>> -> memref<1536xf32, #tpu.memory_space<hbm>>
      tpu.enqueue_dma source(%arg6 : memref<1536xf32, #tpu.memory_space<vmem>>) target(%dma_start3A_30 : memref<1536xf32, #tpu.memory_space<hbm>>) target_semaphore(%run_scoped3A : memref<!tpu.dma_semaphore, #tpu.memory_space<semaphore_mem>>)
      %dma_wait3A = arith.constant 0 : i32
      %dma_wait3A_31 = tpu.memref_slice %arg3[%add3A, %dma_wait3A] : memref<32x1536xf32, #tpu.memory_space<hbm>> -> memref<1x1536xf32, #tpu.memory_space<hbm>>
      %dma_wait3A_32 = tpu.memref_squeeze %dma_wait3A_31 : memref<1x1536xf32, #tpu.memory_space<hbm>> -> memref<1536xf32, #tpu.memory_space<hbm>>
      %dma_wait3A_33 = arith.constant 0 : i32
      %dma_wait3A_34 = tpu.memref_slice %arg3[%add3A, %dma_wait3A_33] : memref<32x1536xf32, #tpu.memory_space<hbm>> -> memref<1x1536xf32, #tpu.memory_space<hbm>>
      %dma_wait3A_35 = tpu.memref_squeeze %dma_wait3A_34 : memref<1x1536xf32, #tpu.memory_space<hbm>> -> memref<1536xf32, #tpu.memory_space<hbm>>
      tpu.wait_dma2 semaphore(%run_scoped3A : memref<!tpu.dma_semaphore, #tpu.memory_space<semaphore_mem>>) src(%arg6 : memref<1536xf32, #tpu.memory_space<vmem>>) dst(%dma_wait3A_35 : memref<1536xf32, #tpu.memory_space<hbm>>)
      tpu.yield
    }) : () -> ()
    return
  }
}

</mosaic_0001>

<sc_bundles>
// kernel: kernel.4.cloned.1.call-start
scs
__scs_entry_jumppad:
0x0: {  	(pc) =	sbr.rel $0x88, $3  }
0x1: {  	(tag) =	ssettag $0x0;
	lr =	simm.s32 $0x1  }
0x2: {  	[smem:$0x3FA0] =	sst lr;
	_ =	strace $0xD0000000  }
0x3: {  	_ = 	snop  }
0x4: {  	_ = 	snop  }
0x5: {  	_ = 	snop  }
0x6: {  	_ = 	snop  }
0x7: {  	_ = 	snop  }
__scs_overlays_trampoline_lowered:
0x8: {  	[smem:$0x3FAF] =	sst s0  }
0x9: {  	[smem:$0x3FB0] =	sst s1  }
0xa: {  	[smem:$0x3FB1] =	sst s2  }
0xb: {  	[smem:$0x3FB2] =	sst s3  }
0xc: {  	[smem:$0x3FB3] =	sst s4  }
0xd: {  	[smem:$0x3FB4] =	sst s5  }
0xe: {  	[smem:$0x3FB5] =	sst s6  }
0xf: {  	[smem:$0x3FB6] =	sst s7  }
0x10: {  	[smem:$0x3FB7] =	sst s8  }
0x11: {  	[smem:$0x3FB8] =	sst s9;
	s0 =	simm.s32 @!p0 $0x0  }
0x12: {  	s1 =	sld [smem:$0x3F9E];
	s0 =	simm.s32 @p0 $0x1  }
0x13: {  	[smem:$0x3FB9] =	sst s0;
	s0 =	simm.s32 @!p1 $0x0  }
0x14: {  	s2 =	sld [smem:$0x3F9D];
	s0 =	simm.s32 @p1 $0x1  }
0x15: {  	[smem:$0x3FBA] =	sst s0;
	s0 =	simm.s32 @!p2 $0x0  }
0x16: {  	s3 =	sld [smem:$0x3FDB];
	s0 =	simm.s32 @p2 $0x1  }
0x17: {  	s4 =	simm.s32 $0x1BF5;
	[smem:$0x3FBC] =	sst s0  }
0x18: {  	s0 =	sld [smem:$0x3F9F];
	_ =	swait.ge [sflag:s4], $0x0  }
0x19: {  	s7 =	sld [smem:$0x3FA0]  }
0x1a: {  	s8 =	sadd.s32 $0xFFFFE003, lr  }
0x1b: {  	s9 =	sadd.s32 $0xFFFFFEF7, lr;
	s5 =	simm.s32 $0xFFFFFFFF;
	p2 =	slt.u32 s8, $0xFFFFF086  }
0x1c: {  	p1 =	slt.u32 s9, $0xF7A;
	s5 =	simm.s32 @!p2 $0x0  }
0x1d: {  	s5 =	simm.s32 @p1 $0x1;
	p0 =	seq.s32 s7, s2  }
0x1e: {  	s7 =	smul.u32 @!p0 $0xF7A, s2;
	p2 =	seq.s32 @!p0 s5, $0x0  }
0x1f: {  	s9 =	smul.u32 $0xF7A, s1;
	s8 =	simm.s32 @!p0 $0x1BF5;
	p2 =	por !p2, p0  }
0x20: {  	[sflag:s8] =	ssyncset.s32 @!p0 $0xFFFFF086;
	s6 =	sadd.s32 @!p0 s3, s7;
	s7 =	simm.s32 @!p0 $0x108  }
0x21: {  	s3 =	sadd.s32 s3, s9;
	s6 =	sadd.s32 @!p0 $0x88, s6;
	s7 =	simm.s32 @p2 $0x1082  }
0x22: {  	[simem:s7], [sflag:s8] =	dma.local @!p0 [hbm:s6], $0xF7A  }
0x23: {  	s9 =	sor.u32 $0xD0000000, s2;
	s6 =	simm.s32 $0x108;
	_ =	swait.ge @!p0 [sflag:s8], $0x0  }
0x24: {  	s3 =	sadd.s32 $0x88, s3;
	s6 =	simm.s32 @!p1 $0x1082;
	[sflag:s4] =	ssyncset.s32 $0xFFFFF086  }
0x25: {  	[simem:s6], [sflag:s4] =	dma.local [hbm:s3], $0xF7A  }
0x26: {  	[smem:$0x3FA0] =	sst s1;
	(tag) =	ssettag s2;
	_ =	strace s9  }
0x27: {  	s1 =	sld [smem:$0x3FB0]  }
0x28: {  	s2 =	sld [smem:$0x3FB1]  }
0x29: {  	s4 =	sld [smem:$0x3FB3]  }
0x2a: {  	p0 =	seq.s32 s5, $0x0;
	s5 =	sld [smem:$0x3FB4]  }
0x2b: {  	s6 =	sld [smem:$0x3FB5]  }
0x2c: {  	s7 =	sld [smem:$0x3FB6]  }
0x2d: {  	s3 =	simm.s32 $0x108;
	s8 =	sld [smem:$0x3FB7]  }
0x2e: {  	s3 =	simm.s32 @!p0 $0x1082;
	s9 =	sld [smem:$0x3FB8]  }
0x2f: {  	lr =	sadd.s32 s0, s3;
	s0 =	sld [smem:$0x3FAF]  }
0x30: {  	s3 =	sld [smem:$0x3FB2]  }
0x31: {  	[smem:$0x3FBB] =	sst s10  }
0x32: {  	s10 =	sld [smem:$0x3FB9];
	_ =	sdelay $0x3  }
0x33: {  	p0 =	seq.s32 s10, $0x1;
	s10 =	sld [smem:$0x3FBB];
	_ =	sdelay $0x3  }
0x34: {  	[smem:$0x3FBB] =	sst s10  }
0x35: {  	s10 =	sld [smem:$0x3FBA];
	_ =	sdelay $0x3  }
0x36: {  	p1 =	seq.s32 s10, $0x1;
	s10 =	sld [smem:$0x3FBB];
	_ =	sdelay $0x3  }
0x37: {  	[smem:$0x3FBB] =	sst s10  }
0x38: {  	s10 =	sld [smem:$0x3FBC]  }
0x39: {  	_ = 	snop;
	(pc) =	sbr.ind lr, $3  }
0x3a: {  	_ = 	snop  }
0x3b: {  	_ = 	snop  }
0x3c: {  	p2 =	seq.s32 s10, $0x1;
	s10 =	sld [smem:$0x3FBB]  }
0x3d: {  	_ =	shalt  }
0x3e: {  	_ =	shalt  }
0x3f: {  	_ =	shalt  }
0x40: {  	_ =	shalt  }
0x41: {  	_ =	shalt  }
0x42: {  	_ =	shalt  }
0x43: {  	_ =	shalt  }
0x44: {  	_ =	shalt  }
0x45: {  	_ =	shalt  }
0x46: {  	_ =	shalt  }
0x47: {  	_ =	shalt  }
0x48: {  	_ =	shalt  }
0x49: {  	_ =	shalt  }
0x4a: {  	_ =	shalt  }
0x4b: {  	_ =	shalt  }
0x4c: {  	_ =	shalt  }
0x4d: {  	_ =	shalt  }
0x4e: {  	_ =	shalt  }
0x4f: {  	_ =	shalt  }
0x50: {  	_ =	shalt  }
0x51: {  	_ =	shalt  }
0x52: {  	_ =	shalt  }
0x53: {  	_ =	shalt  }
0x54: {  	_ =	shalt  }
0x55: {  	_ =	shalt  }
0x56: {  	_ =	shalt  }
0x57: {  	_ =	shalt  }
0x58: {  	_ =	shalt  }
0x59: {  	_ =	shalt  }
0x5a: {  	_ =	shalt  }
0x5b: {  	_ =	shalt  }
0x5c: {  	_ =	shalt  }
0x5d: {  	_ =	shalt  }
0x5e: {  	_ =	shalt  }
0x5f: {  	_ =	shalt  }
0x60: {  	_ =	shalt  }
0x61: {  	_ =	shalt  }
0x62: {  	_ =	shalt  }
0x63: {  	_ =	shalt  }
0x64: {  	_ =	shalt  }
0x65: {  	_ =	shalt  }
0x66: {  	_ =	shalt  }
0x67: {  	_ =	shalt  }
0x68: {  	_ =	shalt  }
0x69: {  	_ =	shalt  }
0x6a: {  	_ =	shalt  }
0x6b: {  	_ =	shalt  }
0x6c: {  	_ =	shalt  }
0x6d: {  	_ =	shalt  }
0x6e: {  	_ =	shalt  }
0x6f: {  	_ =	shalt  }
0x70: {  	_ =	shalt  }
0x71: {  	_ =	shalt  }
0x72: {  	_ =	shalt  }
0x73: {  	_ =	shalt  }
0x74: {  	_ =	shalt  }
0x75: {  	_ =	shalt  }
0x76: {  	_ =	shalt  }
0x77: {  	_ =	shalt  }
0x78: {  	_ =	shalt  }
0x79: {  	_ =	shalt  }
0x7a: {  	_ =	shalt  }
0x7b: {  	_ =	shalt  }
0x7c: {  	_ =	shalt  }
0x7d: {  	_ =	shalt  }
0x7e: {  	_ =	shalt  }
0x7f: {  	_ =	shalt  }
0x80: {  	_ =	shalt  }
0x81: {  	_ =	shalt  }
0x82: {  	_ =	shalt  }
0x83: {  	_ =	shalt  }
0x84: {  	_ =	shalt  }
0x85: {  	_ =	shalt  }
0x86: {  	_ =	shalt  }
0x87: {  	_ =	shalt  }
.Lfunc_end0:
.L_simem_size_0:
called_computation_lowered:
.L_overlay_start_0:
0x88: {  	s2 =	sld [smem:$0x3FD9]  }
0x89: {  	s3 =	sld [smem:$0x3FFE];
	_ =	sdelay $0x1  }
0x8a: {  	s1 =	srdreg.scid  }
0x8b: {  	s0 =	sand.u32 $0x1, s1  }
0x8c: {  	s16 =	sshll.u32 s0, $0xA;
	s2 =	sadd.s32 s3, s2  }
0x8d: {  	s2 =	sadd.s32 s2, s16  }
0x8e: {  	[smem:$0x3FC7] =	sst s2  }
0x8f: {  	_ = 	snop  }
0x90: {  	(tm) =	ssettm $0x1  }
0x91: {  	s17 =	sld [smem:$0x3FFB];
	_ =	sdelay $0x3  }
0x92: {  	_ =	strace s17  }
0x93: {  	s2 =	sld [smem:$0x3FFC];
	_ =	sdelay $0x3  }
0x94: {  	_ =	strace s2  }
0x95: {  	s2 =	sld [smem:$0x3FFD];
	_ =	sdelay $0x3  }
0x96: {  	_ =	strace s2  }
0x97: {  	_ =	strace $0x8FFFFFFF  }
0x98: {  	s18 =	sld [smem:$0x3FDB];
	_ =	sdelay $0x1  }
0x99: {  	s19 =	simm.s32 $_scs_section_size  }
0x9a: {  	s4 =	simm.s32 $_size__tile_overlayer_lowered;
	s5 =	simm.s32 $_tile_overlayer_lowered  }
0x9b: {  	s22 =	simm.s32 $0x1BFF;
	s21 =	sshll.u32 s5, $0x1;
	s2 =	sadd.s32 s19, s18  }
0x9c: {  	s6 =	simm.s32 $0x0;
	s20 =	sshll.u32 s4, $0x1;
	s4 =	sadd.s32 s21, s2  }
0x9d: {  	[timem:s6], [sflag:s22] =	dma.local [hbm:s4], s20  }
0x9e: {  	_ =	swait.ge [sflag:s22], s20  }
0x9f: {  	s3 =	ssub.s32 $0x0, s20;
	[sflag:s22] =	ssyncset.done $0x0  }
0xa0: {  	[sflag:s22] =	ssyncadd.s32 s3;
	_ =	sdelay $0x1  }
0xa1: {  	s23 =	simm.s32 $0x1B8B  }
0xa2: {  	_ =	swait.ge [sflag:s23], $0x1  }
0xa3: {  	[sflag:s23] =	ssyncset.done $0x0  }
0xa4: {  	s25 =	simm.s32 $0x1B8E;
	s24 =	sld [smem:$0x3FFE];
	[sflag:s23] =	ssyncadd.s32 $0xFFFFFFFF  }
0xa5: {  	s26 =	simm.s32 $execute0_lowered;
	[smem:$0x3FD2] =	sst s25  }
0xa6: {  	s4 =	sshll.u32 s26, $0x1;
	_ =	strace $0x80000046;
	[dreg:$0x1] =	wrdreg $0xFFFFFFFF  }
0xa7: {  	s28 =	simm.s32 $_size_execute0_lowered;
	s2 =	sadd.s32 s2, s4;
	[dreg:$0x0] =	wrdreg $0x0  }
0xa8: {  	s4 =	sshll.u32 s28, $0x1;
	[dreg:$0x2] =	wrdreg s2  }
0xa9: {  	[dreg:$0x3] =	wrdreg s4  }
0xaa: {  	[dreg:$0x4] =	wrdreg $0xC0  }
0xab: {  	_ =	task [dreg:s6], $0x5FFFF  }
0xac: {  	[dreg:$0x1] =	wrdreg $0xFFFFFFFF  }
0xad: {  	[dreg:$0x0] =	wrdreg $0x60  }
0xae: {  	[dreg:$0x2] =	wrdreg s24  }
0xaf: {  	[dreg:$0x3] =	wrdreg $0x9  }
0xb0: {  	_ =	task.clear_ibuf [dreg:s6], $0x4FFFF;
	_ =	strace $0x90000046  }
0xb1: {  	s29 =	simm.s32 $0x9;
	_ =	strace $0x80000048  }
0xb2: {  	_ =	swait.ge [sflag:s29], $0x1  }
0xb3: {  	[sflag:s29] =	ssyncadd.s32 $0xFFFFFFFF  }
0xb4: {  	_ =	strace $0x90000048  }
0xb5: {  	_ =	sfence  }
0xb6: {  	s30 =	sld [smem:$0x0];
	_ =	sdelay $0x2  }
0xb7: {  	s31 =	sshll.u32 s1, $0xD;
	s1 =	sshrl.u32 s1, $0x2  }
0xb8: {  	s3 =	sand.u32 $0x4000, s31;
	s1 =	sadd.s32 s1, s30  }
0xb9: {  	s0 =	sor.u32 s3, s0;
	s1 =	sshll.u32 s1, $0x11  }
0xba: {  	s0 =	sor.u32 s1, s0  }
0xbb: {  	s0 =	sadd.s32 $0x8F2B, s0  }
0xbc: {  	[sflag:s0] =	ssyncadd.remote.s32 $0x1  }
0xbd: {  	_ =	sfence.sel $0xFFFF  }
0xbe: {  	[dreg:$0x0] =	wrdreg $0xFFFFFFFF;
	(pc) =	sbr.abs _section_cstart, $3  }
0xbf: {  	[dreg:$0x1] =	wrdreg $0xFFFFFFFF  }
0xc0: {  	_ =	task.clear_ibuf [dreg:s6], $0x2FFFF;
	_ =	strace $0x9FFFFFFF  }
0xc1: {  	(tm) =	ssettm $0x7FFFFFFF  }
tec
execute0_lowered:
.L_overlay_start_1:
0x0: {  	(tag) =	ssettag $0x1  }
0x1: {  	s1 =	srdreg.scid;
	v0 =	vlaneseq.u32  }
0x2: {  	s0 =	stileid.u32;
	s3 =	rddreg [dreg:$0x0];
	vm0 =	vcmask $0x300;
	v3 =	vimm.s32 $0x0;
	v2 =	vimm.f32 $0.0e+00;
	s8 =	simm.s32 $0x80  }
0x3: {  	s9 =	simm.s32 $0x400;
	s10 =	simm.s32 $0xA000;
	s11 =	simm.s32 $0x0;
	v1 =	vmul.u32 $0x4, v0;
	v3 =	vsel vm0, $0x7, v3;
	v6 =	vand.u32 $0x7, v0  }
0x4: {  	s4 =	sand.u32 $0x1, s1;
	s2 =	sshll.u32 s0, $0x1;
	s1 =	rddreg [dreg:$0x1];
	v8 =	vmul.u32 $0x10, v0;
	v11 =	vmul.u32 $0x10, v6;
	v6 =	vimm.f32 $1.000000000e+00  }
0x5: {  	s6 =	sshrl.u32 s0, $0x2;
	s5 =	sor.u32 s4, s2;
	s2 =	simm.s32 $0x0;
	v4 =	vor.u32 $0x1, v1;
	v5 =	vor.u32 $0x3, v1;
	v7 =	vor.u32 $0x40, v1  }
0x6: {  	s6 =	smul.u32 $0x3000, s6;
	s4 =	ssub.s32 $0x2, s4;
	s7 =	sshll.u32 s5, $0x7;
	v9 =	vor.u32 $0x41, v1;
	v10 =	vor.u32 $0x43, v1;
	v12 =	vor.u32 $0x1, v8  }
0x7: {  	[smem:$0x7FF] =	sst s2;
	s5 =	sshll.u32 s5, $0x11;
	v13 =	vor.u32 $0x2, v8;
	v14 =	vor.u32 $0x3, v8;
	v15 =	vor.u32 $0x4, v8;
	s7 =	sand.u32 $0x380, s7  }
0x8: {  	s31 =	sshrl.u32 s4, $0x1;
	v16 =	vor.u32 $0x5, v8;
	v17 =	vor.u32 $0x6, v8;
	v18 =	vor.u32 $0x7, v8;
	_ =	strace $0x80000047;
	s6 =	sor.u32 s6, s7  }
0x9: {  	v19 =	vor.u32 $0x8, v8;
	v20 =	vor.u32 $0x9, v8;
	v21 =	vor.u32 $0xA, v8;
	s5 =	sadd.s32 s5, s3;
	s7 =	ssub.s32 s4, s31;
	s6 =	sshrl.u32 s6, $0x3  }
0xa: {  	v22 =	vor.u32 $0xB, v8;
	v23 =	vor.u32 $0xC, v8;
	v24 =	vor.u32 $0xD, v8;
	s6 =	sadd.s32 s6, s3;
	s3 =	sadd.s32 $0x8000800, s5;
	s5 =	smax.u32 s7, $0x1  }
0xb: {  	v25 =	vor.u32 $0xE, v8;
	v26 =	vor.u32 $0xF, v8;
	v11 =	vor.u32 $0xFFFFFF80, v11;
	s7 =	simm.s32 $0x4000;
	s4 =	sadd.s32 $0x800, s6;
	s6 =	simm.s32 $0x1  }
.LBB2_1:
0xc: {  	s12 =	simm.s32 $0x40;
	s13 =	simm.s32 $0x0  }
.LBB2_2:
0xd: {  	p0 =	sne.s32 s12, $0x17FC0;
	[tilespmem:s13+$0x4000] =	vst v2;
	s13 =	smov.u32 s12;
	s12 =	sadd.s32 $0x40, s12  }
.Ltmp0:
0xe: {  	(pc) =	sbr.rel @p0 .LBB2_2-.Ltmp0, $2  }
0xf: {  	_ =	sdelay $0x2  }
0x10: {  	s13 =	sshra.s32 s13, $0x2  }
0x11: {  	[tilespmem:s13+$0x4000] =	vst v2;
	s12 =	simm.s32 $0x0;
	s13 =	simm.s32 $0x0  }
.LBB2_4:
0x12: {  	s14 =	sshll.u32 s13, $0xB  }
0x13: {  	s14 =	sadd.s32 s14, s3  }
0x14: {  	[tilespmem:s12], [sflag:$0x1] =	stream.linear.gather [hbm4b:s14+s12], $0x4000, $0x38;
	[tilespmem:$0xA600] =	vst v63  }
0x15: {  	_ =	swait.ge [sflag:s6], $0x4000  }
0x16: {  	[sflag:s6] =	ssyncset.done $0x0  }
0x17: {  	s15 =	simm.s32 $0x0;
	s14 =	simm.s32 $0xFFFFFFFC;
	[sflag:s6] =	ssyncadd.s32 $0xFFFFC000  }
.LBB2_5:
0x18: {  	v27 =	vmov s15  }
0x19: {  	v27 =	vshrl.u32 v27, $0x7  }
0x1a: {  	v27 =	vshll.u32 v27, v3  }
0x1b: {  	v27 =	vbroadcast v27, $0x0;
	_ =	sdelay $0x1  }
0x1c: {  	v28 =	vor.u32 v1, v27  }
0x1d: {  	v29 =	vor.u32 v4, v27;
	_ =	sdelay $0x3  }
0x1e: {  	v28 =	vld.idx.msk [tilespmem:v28+s2+$0x0], $0xffff  }
0x1f: {  	v29 =	vld.idx.msk [tilespmem:v29+s2+$0x0], $0xffff;
	_ =	sdelay $0x4  }
0x20: {  	v30 =	vor.u32 v5, v27;
	v28 =	vmul.f32 $5.000000070e-02, v28;
	v29 =	vmul.f32 $5.000000070e-02, v29;
	_ =	sdelay $0x1  }
0x21: {  	v28 =	vtrunc.f32 v28;
	v29 =	vtrunc.f32 v29  }
0x22: {  	v28 =	vcvt.f32.s32 v28;
	v29 =	vcvt.f32.s32 v29;
	_ =	sdelay $0x1  }
0x23: {  	v30 =	vld.idx.msk [tilespmem:v30+s2+$0x0], $0xffff;
	vm0 =	vgt.s32 v28, $0x0;
	vm1 =	vgt.s32 v29, $0x0  }
0x24: {  	v28 =	vnsel vm0, $0x0, v28;
	v29 =	vnsel vm1, $0x0, v29  }
0x25: {  	v28 =	vmin.u32 v28, $0x1F;
	v29 =	vmin.u32 v29, $0x17  }
0x26: {  	v29 =	vshll.u32 v29, $0x9;
	v28 =	vshll.u32 v28, $0x4  }
0x27: {  	v28 =	vor.u32 v28, v29  }
0x28: {  	vm6 =	vgt.f32 v30, $0.0e+00;
	v29 =	vadd.s32 $0x3000, v28  }
0x29: {  	v28 =	vsel vm6, v28, v29  }
0x2a: {  	v28 =	vor.u32 v0, v28  }
0x2b: {  	v50 =	vor.u32 v7, v27  }
0x2c: {  	v51 =	vor.u32 v9, v27;
	_ =	sdelay $0x2  }
0x2d: {  	[tilespmem:v28+s7+$0x0] =	vst.idx.add.f32.msk $0xffff, v6  }
0x2e: {  	v28 =	vld.idx.msk [tilespmem:v50+s2+$0x0], $0xffff  }
0x2f: {  	v52 =	vld.idx.msk [tilespmem:v51+s2+$0x0], $0xffff;
	_ =	sdelay $0x2  }
0x30: {  	v27 =	vor.u32 v10, v27;
	_ =	sdelay $0x1  }
0x31: {  	v28 =	vmul.f32 $5.000000070e-02, v28;
	v29 =	vmul.f32 $5.000000070e-02, v52;
	_ =	sdelay $0x1  }
0x32: {  	v28 =	vtrunc.f32 v28;
	v29 =	vtrunc.f32 v29  }
0x33: {  	v27 =	vld.idx.msk [tilespmem:v27+s2+$0x0], $0xffff;
	v28 =	vcvt.f32.s32 v28;
	v29 =	vcvt.f32.s32 v29;
	_ =	sdelay $0x1  }
0x34: {  	vm7 =	vgt.s32 v28, $0x0;
	vm8 =	vgt.s32 v29, $0x0  }
0x35: {  	s16 =	sadd.s32 $0x80, s15;
	v28 =	vnsel vm7, $0x0, v28;
	v29 =	vnsel vm8, $0x0, v29  }
0x36: {  	v53 =	vmov s16;
	v28 =	vmin.u32 v28, $0x1F;
	v29 =	vmin.u32 v29, $0x17  }
0x37: {  	s26 =	sadd.s32 $0x81, s15;
	vm9 =	vgt.f32 v27, $0.0e+00;
	v27 =	vshll.u32 v29, $0x9;
	v28 =	vshll.u32 v28, $0x4  }
0x38: {  	v55 =	vmov s26;
	v54 =	vshrl.u32 v53, $0x7;
	v27 =	vor.u32 v28, v27  }
0x39: {  	v29 =	vshrl.u32 v55, $0x7;
	v28 =	vshll.u32 v54, v3;
	v56 =	vadd.s32 $0x3000, v27  }
0x3a: {  	v29 =	vshll.u32 v29, v3;
	v28 =	vbroadcast v28, $0x0;
	v27 =	vsel vm9, v27, v56  }
0x3b: {  	v29 =	vbroadcast v29, $0x0;
	v27 =	vor.u32 v0, v27  }
0x3c: {  	v28 =	vor.u32 v1, v28  }
0x3d: {  	v29 =	vor.u32 v4, v29;
	_ =	sdelay $0x1  }
0x3e: {  	s28 =	sadd.s32 $0x83, s15  }
0x3f: {  	v57 =	vmov s28;
	[tilespmem:v27+s7+$0x0] =	vst.idx.add.f32.msk $0xffff, v6  }
0x40: {  	v27 =	vshrl.u32 v57, $0x7;
	v28 =	vld.idx.msk [tilespmem:v28+s2+$0x0], $0xffff  }
0x41: {  	v27 =	vshll.u32 v27, v3;
	v29 =	vld.idx.msk [tilespmem:v29+s2+$0x0], $0xffff  }
0x42: {  	v27 =	vbroadcast v27, $0x0;
	_ =	sdelay $0x1  }
0x43: {  	v27 =	vor.u32 v5, v27;
	_ =	sdelay $0x1  }
0x44: {  	v28 =	vmul.f32 $5.000000070e-02, v28;
	v29 =	vmul.f32 $5.000000070e-02, v29;
	_ =	sdelay $0x1  }
0x45: {  	v28 =	vtrunc.f32 v28;
	v29 =	vtrunc.f32 v29  }
0x46: {  	v27 =	vld.idx.msk [tilespmem:v27+s2+$0x0], $0xffff;
	v28 =	vcvt.f32.s32 v28;
	v29 =	vcvt.f32.s32 v29;
	_ =	sdelay $0x1  }
0x47: {  	vm10 =	vgt.s32 v28, $0x0;
	vm11 =	vgt.s32 v29, $0x0  }
0x48: {  	s29 =	sadd.s32 $0xC0, s15;
	v28 =	vnsel vm10, $0x0, v28;
	v29 =	vnsel vm11, $0x0, v29  }
0x49: {  	v58 =	vmov s29;
	v28 =	vmin.u32 v28, $0x1F;
	v29 =	vmin.u32 v29, $0x17  }
0x4a: {  	s30 =	sadd.s32 $0xC1, s15;
	vm12 =	vgt.f32 v27, $0.0e+00;
	v27 =	vshll.u32 v29, $0x9;
	v28 =	vshll.u32 v28, $0x4  }
0x4b: {  	v60 =	vmov s30;
	v59 =	vshrl.u32 v58, $0x7;
	v27 =	vor.u32 v28, v27  }
0x4c: {  	v29 =	vshrl.u32 v60, $0x7;
	v28 =	vshll.u32 v59, v3;
	v61 =	vadd.s32 $0x3000, v27  }
0x4d: {  	v29 =	vshll.u32 v29, v3;
	v28 =	vbroadcast v28, $0x0;
	v27 =	vsel vm12, v27, v61  }
0x4e: {  	v29 =	vbroadcast v29, $0x0;
	v27 =	vor.u32 v0, v27  }
0x4f: {  	v28 =	vor.u32 v7, v28  }
0x50: {  	v29 =	vor.u32 v9, v29;
	_ =	sdelay $0x2  }
0x51: {  	[tilespmem:v27+s7+$0x0] =	vst.idx.add.f32.msk $0xffff, v6  }
0x52: {  	s31 =	sadd.s32 $0xC3, s15;
	v27 =	vld.idx.msk [tilespmem:v28+s2+$0x0], $0xffff  }
0x53: {  	v63 =	vmov s31;
	v62 =	vld.idx.msk [tilespmem:v29+s2+$0x0], $0xffff  }
0x54: {  	v29 =	vshrl.u32 v63, $0x7  }
0x55: {  	v29 =	vshll.u32 v29, v3  }
0x56: {  	v29 =	vbroadcast v29, $0x0;
	_ =	sdelay $0x1  }
0x57: {  	v29 =	vor.u32 v10, v29;
	v27 =	vmul.f32 $5.000000070e-02, v27;
	v28 =	vmul.f32 $5.000000070e-02, v62;
	_ =	sdelay $0x1  }
0x58: {  	v27 =	vtrunc.f32 v27;
	v28 =	vtrunc.f32 v28  }
0x59: {  	v27 =	vcvt.f32.s32 v27;
	v28 =	vcvt.f32.s32 v28;
	_ =	sdelay $0x1  }
0x5a: {  	v29 =	vld.idx.msk [tilespmem:v29+s2+$0x0], $0xffff;
	vm13 =	vgt.s32 v27, $0x0;
	vm14 =	vgt.s32 v28, $0x0  }
0x5b: {  	v27 =	vnsel vm13, $0x0, v27;
	v28 =	vnsel vm14, $0x0, v28  }
0x5c: {  	v27 =	vmin.u32 v27, $0x1F;
	v28 =	vmin.u32 v28, $0x17  }
0x5d: {  	v28 =	vshll.u32 v28, $0x9;
	v27 =	vshll.u32 v27, $0x4  }
0x5e: {  	v27 =	vor.u32 v27, v28  }
0x5f: {  	vm15 =	vgt.f32 v29, $0.0e+00;
	v28 =	vadd.s32 $0x3000, v27  }
0x60: {  	s14 =	sadd.s32 $0x4, s14;
	v27 =	vsel vm15, v27, v28  }
0x61: {  	p0 =	slt.u32 s14, $0xFC;
	v27 =	vor.u32 v0, v27  }
.Ltmp1:
0x62: {  	_ = 	snop;
	(pc) =	sbr.rel @p0 .LBB2_5-.Ltmp1, $2  }
0x63: {  	_ =	sdelay $0x2  }
0x64: {  	s15 =	sadd.s32 $0x100, s15;
	[tilespmem:v27+s7+$0x0] =	vst.idx.add.f32.msk $0xffff, v6  }
0x65: {  	s13 =	sadd.s32 $0x1, s13  }
0x66: {  	p0 =	sne.s32 s13, $0x40  }
.Ltmp2:
0x67: {  	_ = 	snop;
	(pc) =	sbr.rel @p0 .LBB2_4-.Ltmp2, $1  }
0x68: {  	_ =	sdelay $0x3  }
0x69: {  	s12 =	simm.s32 $0x0  }
0x6a: {  	v27 =	vor.u32 s12, v8  }
0x6b: {  	v27 =	vand.u32 v11, v27;
	_ =	sdelay $0x1  }
0x6c: {  	v28 =	vor.u32 s12, v12;
	_ =	sdelay $0x1  }
0x6d: {  	v29 =	vor.u32 s12, v13  }
0x6e: {  	v27 =	vld.idx.msk [tilespmem:v27+s7+$0x0], $0xffff  }
0x6f: {  	v30 =	vor.u32 s12, v14  }
0x70: {  	v28 =	vld.idx.msk [tilespmem:v28+s7+$0x0], $0xffff  }
0x71: {  	v31 =	vor.u32 s12, v15  }
0x72: {  	v29 =	vld.idx.msk [tilespmem:v29+s7+$0x0], $0xffff  }
0x73: {  	v32 =	vor.u32 s12, v16;
	v27 =	vadd.f32 $0.0e+00, v27  }
0x74: {  	v30 =	vld.idx.msk [tilespmem:v30+s7+$0x0], $0xffff  }
0x75: {  	v33 =	vor.u32 s12, v17;
	v27 =	vadd.f32 v28, v27  }
0x76: {  	v28 =	vld.idx.msk [tilespmem:v31+s7+$0x0], $0xffff  }
0x77: {  	v31 =	vor.u32 s12, v18;
	v27 =	vadd.f32 v29, v27  }
0x78: {  	v29 =	vld.idx.msk [tilespmem:v32+s7+$0x0], $0xffff  }
0x79: {  	v51 =	vor.u32 s12, v19;
	v27 =	vadd.f32 v30, v27  }
0x7a: {  	v30 =	vld.idx.msk [tilespmem:v33+s7+$0x0], $0xffff  }
0x7b: {  	v52 =	vor.u32 s12, v20;
	v27 =	vadd.f32 v28, v27  }
0x7c: {  	v28 =	vld.idx.msk [tilespmem:v31+s7+$0x0], $0xffff  }
0x7d: {  	v31 =	vor.u32 s12, v21;
	v27 =	vadd.f32 v29, v27  }
0x7e: {  	v29 =	vld.idx.msk [tilespmem:v51+s7+$0x0], $0xffff  }
0x7f: {  	v53 =	vor.u32 s12, v22;
	v27 =	vadd.f32 v30, v27  }
0x80: {  	v30 =	vld.idx.msk [tilespmem:v52+s7+$0x0], $0xffff  }
0x81: {  	v54 =	vor.u32 s12, v23;
	v27 =	vadd.f32 v28, v27  }
0x82: {  	v28 =	vld.idx.msk [tilespmem:v31+s7+$0x0], $0xffff  }
0x83: {  	v31 =	vor.u32 s12, v24;
	v27 =	vadd.f32 v29, v27  }
0x84: {  	v29 =	vld.idx.msk [tilespmem:v53+s7+$0x0], $0xffff  }
0x85: {  	v55 =	vor.u32 s12, v25;
	v27 =	vadd.f32 v30, v27  }
0x86: {  	v30 =	vld.idx.msk [tilespmem:v54+s7+$0x0], $0xffff  }
0x87: {  	v56 =	vor.u32 s12, v26;
	v27 =	vadd.f32 v28, v27  }
0x88: {  	v28 =	vld.idx.msk [tilespmem:v31+s7+$0x0], $0xffff  }
0x89: {  	v27 =	vadd.f32 v29, v27  }
0x8a: {  	v29 =	vld.idx.msk [tilespmem:v55+s7+$0x0], $0xffff  }
0x8b: {  	v27 =	vadd.f32 v30, v27  }
0x8c: {  	v30 =	vld.idx.msk [tilespmem:v56+s7+$0x0], $0xffff  }
0x8d: {  	s13 =	simm.s32 $0x100;
	v27 =	vadd.f32 v28, v27  }
0x8e: {  	v28 =	vor.u32 s13, v8  }
0x8f: {  	v28 =	vand.u32 v11, v28;
	v27 =	vadd.f32 v29, v27;
	_ =	sdelay $0x1  }
0x90: {  	v29 =	vor.u32 s13, v12;
	v27 =	vadd.f32 v30, v27  }
0x91: {  	s12 =	simm.s32 $0xA000  }
0x92: {  	v30 =	vor.u32 s13, v13;
	[tilespmem:s12+$0x0] =	vst v27  }
0x93: {  	v27 =	vld.idx.msk [tilespmem:v28+s7+$0x0], $0xffff  }
0x94: {  	v28 =	vor.u32 s13, v14  }
0x95: {  	v29 =	vld.idx.msk [tilespmem:v29+s7+$0x0], $0xffff  }
0x96: {  	v31 =	vor.u32 s13, v15  }
0x97: {  	v30 =	vld.idx.msk [tilespmem:v30+s7+$0x0], $0xffff  }
0x98: {  	v57 =	vor.u32 s13, v16;
	v27 =	vadd.f32 $0.0e+00, v27  }
0x99: {  	v28 =	vld.idx.msk [tilespmem:v28+s7+$0x0], $0xffff  }
0x9a: {  	v58 =	vor.u32 s13, v17;
	v27 =	vadd.f32 v29, v27  }
0x9b: {  	v29 =	vld.idx.msk [tilespmem:v31+s7+$0x0], $0xffff  }
0x9c: {  	v31 =	vor.u32 s13, v18;
	v27 =	vadd.f32 v30, v27  }
0x9d: {  	v30 =	vld.idx.msk [tilespmem:v57+s7+$0x0], $0xffff  }
0x9e: {  	v59 =	vor.u32 s13, v19;
	v27 =	vadd.f32 v28, v27  }
0x9f: {  	v28 =	vld.idx.msk [tilespmem:v58+s7+$0x0], $0xffff  }
0xa0: {  	v60 =	vor.u32 s13, v20;
	v27 =	vadd.f32 v29, v27  }
0xa1: {  	v29 =	vld.idx.msk [tilespmem:v31+s7+$0x0], $0xffff  }
0xa2: {  	v31 =	vor.u32 s13, v21;
	v27 =	vadd.f32 v30, v27  }
0xa3: {  	v30 =	vld.idx.msk [tilespmem:v59+s7+$0x0], $0xffff  }
0xa4: {  	v61 =	vor.u32 s13, v22;
	v27 =	vadd.f32 v28, v27  }
0xa5: {  	v28 =	vld.idx.msk [tilespmem:v60+s7+$0x0], $0xffff  }
0xa6: {  	v62 =	vor.u32 s13, v23;
	v27 =	vadd.f32 v29, v27  }
0xa7: {  	v29 =	vld.idx.msk [tilespmem:v31+s7+$0x0], $0xffff  }
0xa8: {  	v27 =	vadd.f32 v30, v27  }
0xa9: {  	v31 =	vor.u32 s13, v24;
	v30 =	vld.idx.msk [tilespmem:v61+s7+$0x0], $0xffff  }
0xaa: {  	v27 =	vadd.f32 v28, v27  }
0xab: {  	v63 =	vor.u32 s13, v25;
	v28 =	vld.idx.msk [tilespmem:v62+s7+$0x0], $0xffff  }
0xac: {  	v27 =	vadd.f32 v29, v27  }
0xad: {  	v29 =	vor.u32 s13, v26  }
0xae: {  	v31 =	vld.idx.msk [tilespmem:v31+s7+$0x0], $0xffff;
	v27 =	vadd.f32 v30, v27;
	_ =	sdelay $0x1  }
0xaf: {  	v30 =	vadd.f32 v28, v27;
	v28 =	vld.idx.msk [tilespmem:v63+s7+$0x0], $0xffff;
	_ =	sdelay $0x1  }
0xb0: {  	v27 =	vld.idx.msk [tilespmem:v29+s7+$0x0], $0xffff  }
0xb1: {  	s13 =	simm.s32 $0x200;
	v29 =	vadd.f32 v31, v30  }
0xb2: {  	s14 =	simm.s32 $0x300;
	v30 =	vor.u32 s13, v8  }
.LBB2_8:
0xb3: {  	p0 =	sne.s32 s14, $0x5F00;
	v30 =	vand.u32 v11, v30;
	v28 =	vadd.f32 v28, v29;
	_ =	sdelay $0x1  }
0xb4: {  	v29 =	vor.u32 s13, v12;
	v27 =	vadd.f32 v27, v28  }
0xb5: {  	s12 =	sadd.s32 $0x10, s12  }
0xb6: {  	v28 =	vor.u32 s13, v13;
	[tilespmem:s12+$0x0] =	vst v27  }
0xb7: {  	v27 =	vld.idx.msk [tilespmem:v30+s7+$0x0], $0xffff  }
0xb8: {  	v30 =	vor.u32 s13, v14  }
0xb9: {  	v29 =	vld.idx.msk [tilespmem:v29+s7+$0x0], $0xffff  }
0xba: {  	v31 =	vor.u32 s13, v15  }
0xbb: {  	v28 =	vld.idx.msk [tilespmem:v28+s7+$0x0], $0xffff  }
0xbc: {  	v32 =	vor.u32 s13, v16  }
0xbd: {  	v27 =	vadd.f32 $0.0e+00, v27;
	v30 =	vld.idx.msk [tilespmem:v30+s7+$0x0], $0xffff  }
0xbe: {  	v33 =	vor.u32 s13, v17  }
0xbf: {  	v27 =	vadd.f32 v29, v27;
	v29 =	vld.idx.msk [tilespmem:v31+s7+$0x0], $0xffff  }
0xc0: {  	v31 =	vor.u32 s13, v18  }
0xc1: {  	v27 =	vadd.f32 v28, v27;
	v28 =	vld.idx.msk [tilespmem:v32+s7+$0x0], $0xffff  }
0xc2: {  	v32 =	vor.u32 s13, v19  }
0xc3: {  	v27 =	vadd.f32 v30, v27;
	v30 =	vld.idx.msk [tilespmem:v33+s7+$0x0], $0xffff  }
0xc4: {  	v33 =	vor.u32 s13, v20  }
0xc5: {  	v27 =	vadd.f32 v29, v27;
	v29 =	vld.idx.msk [tilespmem:v31+s7+$0x0], $0xffff  }
0xc6: {  	v31 =	vor.u32 s13, v21  }
0xc7: {  	v27 =	vadd.f32 v28, v27;
	v28 =	vld.idx.msk [tilespmem:v32+s7+$0x0], $0xffff  }
0xc8: {  	v32 =	vor.u32 s13, v22  }
0xc9: {  	v27 =	vadd.f32 v30, v27;
	v30 =	vld.idx.msk [tilespmem:v33+s7+$0x0], $0xffff  }
0xca: {  	v33 =	vor.u32 s13, v23  }
0xcb: {  	v27 =	vadd.f32 v29, v27;
	v29 =	vld.idx.msk [tilespmem:v31+s7+$0x0], $0xffff  }
0xcc: {  	v31 =	vor.u32 s13, v24  }
0xcd: {  	v27 =	vadd.f32 v28, v27;
	v28 =	vld.idx.msk [tilespmem:v32+s7+$0x0], $0xffff  }
0xce: {  	v32 =	vor.u32 s13, v25  }
0xcf: {  	v27 =	vadd.f32 v30, v27;
	v30 =	vld.idx.msk [tilespmem:v33+s7+$0x0], $0xffff  }
0xd0: {  	v33 =	vor.u32 s13, v26;
	s13 =	smov.u32 s14  }
0xd1: {  	v27 =	vadd.f32 v29, v27;
	v29 =	vld.idx.msk [tilespmem:v31+s7+$0x0], $0xffff;
	_ =	sdelay $0x1  }
0xd2: {  	v27 =	vadd.f32 v28, v27;
	v28 =	vld.idx.msk [tilespmem:v32+s7+$0x0], $0xffff  }
.Ltmp3:
0xd3: {  	(pc) =	sbr.rel @p0 .LBB2_8-.Ltmp3, $3  }
0xd4: {  	v30 =	vadd.f32 v30, v27;
	v27 =	vld.idx.msk [tilespmem:v33+s7+$0x0], $0xffff;
	_ =	sdelay $0x1  }
0xd5: {  	v29 =	vadd.f32 v29, v30  }
0xd6: {  	s14 =	sadd.s32 $0x100, s14;
	v30 =	vor.u32 s13, v8  }
0xd7: {  	v30 =	vand.u32 v11, v30;
	v28 =	vadd.f32 v28, v29;
	_ =	sdelay $0x1  }
0xd8: {  	v40 =	vor.u32 s13, v12;
	v27 =	vadd.f32 v27, v28  }
0xd9: {  	s12 =	sadd.s32 $0x10, s12  }
0xda: {  	v41 =	vor.u32 s13, v13;
	[tilespmem:s12+$0x0] =	vst v27  }
0xdb: {  	v27 =	vld.idx.msk [tilespmem:v30+s7+$0x0], $0xffff  }
0xdc: {  	v42 =	vor.u32 s13, v14  }
0xdd: {  	v29 =	vld.idx.msk [tilespmem:v40+s7+$0x0], $0xffff  }
0xde: {  	v31 =	vor.u32 s13, v15  }
0xdf: {  	v28 =	vld.idx.msk [tilespmem:v41+s7+$0x0], $0xffff  }
0xe0: {  	v32 =	vor.u32 s13, v16;
	v27 =	vadd.f32 $0.0e+00, v27  }
0xe1: {  	v30 =	vld.idx.msk [tilespmem:v42+s7+$0x0], $0xffff  }
0xe2: {  	v33 =	vor.u32 s13, v17;
	v27 =	vadd.f32 v29, v27  }
0xe3: {  	v43 =	vld.idx.msk [tilespmem:v31+s7+$0x0], $0xffff  }
0xe4: {  	v44 =	vor.u32 s13, v18;
	v27 =	vadd.f32 v28, v27  }
0xe5: {  	v45 =	vld.idx.msk [tilespmem:v32+s7+$0x0], $0xffff  }
0xe6: {  	v46 =	vor.u32 s13, v19;
	v27 =	vadd.f32 v30, v27  }
0xe7: {  	v47 =	vld.idx.msk [tilespmem:v33+s7+$0x0], $0xffff  }
0xe8: {  	v48 =	vor.u32 s13, v20;
	v27 =	vadd.f32 v43, v27  }
0xe9: {  	v49 =	vld.idx.msk [tilespmem:v44+s7+$0x0], $0xffff  }
0xea: {  	v50 =	vor.u32 s13, v21;
	v27 =	vadd.f32 v45, v27  }
0xeb: {  	v51 =	vld.idx.msk [tilespmem:v46+s7+$0x0], $0xffff  }
0xec: {  	v52 =	vor.u32 s13, v22;
	v27 =	vadd.f32 v47, v27  }
0xed: {  	v53 =	vld.idx.msk [tilespmem:v48+s7+$0x0], $0xffff  }
0xee: {  	v54 =	vor.u32 s13, v23;
	v27 =	vadd.f32 v49, v27  }
0xef: {  	v55 =	vld.idx.msk [tilespmem:v50+s7+$0x0], $0xffff  }
0xf0: {  	v56 =	vor.u32 s13, v24;
	v27 =	vadd.f32 v51, v27  }
0xf1: {  	v57 =	vld.idx.msk [tilespmem:v52+s7+$0x0], $0xffff  }
0xf2: {  	v58 =	vor.u32 s13, v25;
	v27 =	vadd.f32 v53, v27  }
0xf3: {  	v59 =	vld.idx.msk [tilespmem:v54+s7+$0x0], $0xffff  }
0xf4: {  	v60 =	vor.u32 s13, v26;
	v27 =	vadd.f32 v55, v27  }
0xf5: {  	v61 =	vld.idx.msk [tilespmem:v56+s7+$0x0], $0xffff  }
0xf6: {  	v27 =	vadd.f32 v57, v27  }
0xf7: {  	v62 =	vld.idx.msk [tilespmem:v58+s7+$0x0], $0xffff  }
0xf8: {  	v27 =	vadd.f32 v59, v27  }
0xf9: {  	v63 =	vld.idx.msk [tilespmem:v60+s7+$0x0], $0xffff  }
0xfa: {  	v27 =	vadd.f32 v61, v27;
	_ =	sdelay $0x1  }
0xfb: {  	v27 =	vadd.f32 v62, v27;
	_ =	sdelay $0x1  }
0xfc: {  	s11 =	sadd.s32 $0x1, s11;
	v27 =	vadd.f32 v63, v27  }
0xfd: {  	p0 =	sne.s32 s11, s5;
	s12 =	sadd.s32 $0x10, s12  }
.Ltmp4:
0xfe: {  	[tilespmem:s12+$0x0] =	vst v27;
	(pc) =	sbr.rel @p0 .LBB2_1-.Ltmp4, $4  }
0xff: {  	[hbm4b:s4+s8] =	stream.strided.scatter [tilespmem:s10], [sflag:$0x1], $0x600, s9, s8, $0x38;
	[tilespmem:$0xA600] =	vst v63  }
0x100: {  	_ =	swait.ge [sflag:s6], $0x600  }
0x101: {  	[sflag:s6] =	ssyncset.done $0x0  }
0x102: {  	[sflag:s6] =	ssyncadd.s32 $0xFFFFFA00  }
0x103: {  	_ =	sfence.sel $0x180000  }
0x104: {  	[bflag:$0x0] =	sbarrier.arrive $0xFFFF  }
0x105: {  	p0 =	sne.s32 s0, $0x0;
	_ =	strace $0x90000047  }
0x106: {  	s0 =	sadd.s32 @!p0 $0x100000, s1;
	[bflag:$0x2] =	sbarrier.arrive $0xFFFF  }
0x107: {  	[sflag:s0] =	ssyncadd.tile.s32 @!p0 $0x1;
	_ =	shalt  }
.Lfunc_end2:
_tile_overlayer_lowered:
.L_overlay_start_2:
0x108: {  	(tag) =	ssettag $0x2  }
0x109: {  	s0 =	rddreg [dreg:$0x0];
	s2 =	stileid.u32  }
0x10a: {  	s1 =	rddreg [dreg:$0x1];
	p0 =	sne.s32 s2, $0x0  }
0x10b: {  	s3 =	rddreg [dreg:$0x2];
	[bflag:$0x3] =	sbarrier.arrive $0xFFFF;
	s2 =	simm.s32 @!p0 $0x1C01  }
0x10c: {  	[timem:s3], [sflag:s2] =	dma.local @!p0 [hbm:s0], s1  }
0x10d: {  	s0 =	simm.s32 @!p0 $0x1  }
0x10e: {  	_ =	swait.ge @!p0 [sflag:s0], s1  }
0x10f: {  	s1 =	ssub.s32 @!p0 $0x0, s1;
	[sflag:s0] =	ssyncset.done @!p0 $0x0  }
0x110: {  	[sflag:s0] =	ssyncadd.s32 @!p0 s1  }
0x111: {  	[bflag:$0x3] =	sbarrier.arrive $0xFFFF  }
0x112: {  	_ =	shalt  }

// kernel: kernel.7.cloned.1.call-start
scs
__scs_entry_jumppad:
0x0: {  	(pc) =	sbr.rel $0x88, $3  }
0x1: {  	(tag) =	ssettag $0x0;
	lr =	simm.s32 $0x1  }
0x2: {  	[smem:$0x3FA0] =	sst lr;
	_ =	strace $0xD0000000  }
0x3: {  	_ = 	snop  }
0x4: {  	_ = 	snop  }
0x5: {  	_ = 	snop  }
0x6: {  	_ = 	snop  }
0x7: {  	_ = 	snop  }
__scs_overlays_trampoline_lowered:
0x8: {  	[smem:$0x3FAF] =	sst s0  }
0x9: {  	[smem:$0x3FB0] =	sst s1  }
0xa: {  	[smem:$0x3FB1] =	sst s2  }
0xb: {  	[smem:$0x3FB2] =	sst s3  }
0xc: {  	[smem:$0x3FB3] =	sst s4  }
0xd: {  	[smem:$0x3FB4] =	sst s5  }
0xe: {  	[smem:$0x3FB5] =	sst s6  }
0xf: {  	[smem:$0x3FB6] =	sst s7  }
0x10: {  	[smem:$0x3FB7] =	sst s8  }
0x11: {  	[smem:$0x3FB8] =	sst s9;
	s0 =	simm.s32 @!p0 $0x0  }
0x12: {  	s1 =	sld [smem:$0x3F9E];
	s0 =	simm.s32 @p0 $0x1  }
0x13: {  	[smem:$0x3FB9] =	sst s0;
	s0 =	simm.s32 @!p1 $0x0  }
0x14: {  	s2 =	sld [smem:$0x3F9D];
	s0 =	simm.s32 @p1 $0x1  }
0x15: {  	[smem:$0x3FBA] =	sst s0;
	s0 =	simm.s32 @!p2 $0x0  }
0x16: {  	s3 =	sld [smem:$0x3FDB];
	s0 =	simm.s32 @p2 $0x1  }
0x17: {  	s4 =	simm.s32 $0x1BF5;
	[smem:$0x3FBC] =	sst s0  }
0x18: {  	s0 =	sld [smem:$0x3F9F];
	_ =	swait.ge [sflag:s4], $0x0  }
0x19: {  	s7 =	sld [smem:$0x3FA0]  }
0x1a: {  	s8 =	sadd.s32 $0xFFFFE003, lr  }
0x1b: {  	s9 =	sadd.s32 $0xFFFFFEF7, lr;
	s5 =	simm.s32 $0xFFFFFFFF;
	p2 =	slt.u32 s8, $0xFFFFF086  }
0x1c: {  	p1 =	slt.u32 s9, $0xF7A;
	s5 =	simm.s32 @!p2 $0x0  }
0x1d: {  	s5 =	simm.s32 @p1 $0x1;
	p0 =	seq.s32 s7, s2  }
0x1e: {  	s7 =	smul.u32 @!p0 $0xF7A, s2;
	p2 =	seq.s32 @!p0 s5, $0x0  }
0x1f: {  	s9 =	smul.u32 $0xF7A, s1;
	s8 =	simm.s32 @!p0 $0x1BF5;
	p2 =	por !p2, p0  }
0x20: {  	[sflag:s8] =	ssyncset.s32 @!p0 $0xFFFFF086;
	s6 =	sadd.s32 @!p0 s3, s7;
	s7 =	simm.s32 @!p0 $0x108  }
0x21: {  	s3 =	sadd.s32 s3, s9;
	s6 =	sadd.s32 @!p0 $0x88, s6;
	s7 =	simm.s32 @p2 $0x1082  }
0x22: {  	[simem:s7], [sflag:s8] =	dma.local @!p0 [hbm:s6], $0xF7A  }
0x23: {  	s9 =	sor.u32 $0xD0000000, s2;
	s6 =	simm.s32 $0x108;
	_ =	swait.ge @!p0 [sflag:s8], $0x0  }
0x24: {  	s3 =	sadd.s32 $0x88, s3;
	s6 =	simm.s32 @!p1 $0x1082;
	[sflag:s4] =	ssyncset.s32 $0xFFFFF086  }
0x25: {  	[simem:s6], [sflag:s4] =	dma.local [hbm:s3], $0xF7A  }
0x26: {  	[smem:$0x3FA0] =	sst s1;
	(tag) =	ssettag s2;
	_ =	strace s9  }
0x27: {  	s1 =	sld [smem:$0x3FB0]  }
0x28: {  	s2 =	sld [smem:$0x3FB1]  }
0x29: {  	s4 =	sld [smem:$0x3FB3]  }
0x2a: {  	p0 =	seq.s32 s5, $0x0;
	s5 =	sld [smem:$0x3FB4]  }
0x2b: {  	s6 =	sld [smem:$0x3FB5]  }
0x2c: {  	s7 =	sld [smem:$0x3FB6]  }
0x2d: {  	s3 =	simm.s32 $0x108;
	s8 =	sld [smem:$0x3FB7]  }
0x2e: {  	s3 =	simm.s32 @!p0 $0x1082;
	s9 =	sld [smem:$0x3FB8]  }
0x2f: {  	lr =	sadd.s32 s0, s3;
	s0 =	sld [smem:$0x3FAF]  }
0x30: {  	s3 =	sld [smem:$0x3FB2]  }
0x31: {  	[smem:$0x3FBB] =	sst s10  }
0x32: {  	s10 =	sld [smem:$0x3FB9];
	_ =	sdelay $0x3  }
0x33: {  	p0 =	seq.s32 s10, $0x1;
	s10 =	sld [smem:$0x3FBB];
	_ =	sdelay $0x3  }
0x34: {  	[smem:$0x3FBB] =	sst s10  }
0x35: {  	s10 =	sld [smem:$0x3FBA];
	_ =	sdelay $0x3  }
0x36: {  	p1 =	seq.s32 s10, $0x1;
	s10 =	sld [smem:$0x3FBB];
	_ =	sdelay $0x3  }
0x37: {  	[smem:$0x3FBB] =	sst s10  }
0x38: {  	s10 =	sld [smem:$0x3FBC]  }
0x39: {  	_ = 	snop;
	(pc) =	sbr.ind lr, $3  }
0x3a: {  	_ = 	snop  }
0x3b: {  	_ = 	snop  }
0x3c: {  	p2 =	seq.s32 s10, $0x1;
	s10 =	sld [smem:$0x3FBB]  }
0x3d: {  	_ =	shalt  }
0x3e: {  	_ =	shalt  }
0x3f: {  	_ =	shalt  }
0x40: {  	_ =	shalt  }
0x41: {  	_ =	shalt  }
0x42: {  	_ =	shalt  }
0x43: {  	_ =	shalt  }
0x44: {  	_ =	shalt  }
0x45: {  	_ =	shalt  }
0x46: {  	_ =	shalt  }
0x47: {  	_ =	shalt  }
0x48: {  	_ =	shalt  }
0x49: {  	_ =	shalt  }
0x4a: {  	_ =	shalt  }
0x4b: {  	_ =	shalt  }
0x4c: {  	_ =	shalt  }
0x4d: {  	_ =	shalt  }
0x4e: {  	_ =	shalt  }
0x4f: {  	_ =	shalt  }
0x50: {  	_ =	shalt  }
0x51: {  	_ =	shalt  }
0x52: {  	_ =	shalt  }
0x53: {  	_ =	shalt  }
0x54: {  	_ =	shalt  }
0x55: {  	_ =	shalt  }
0x56: {  	_ =	shalt  }
0x57: {  	_ =	shalt  }
0x58: {  	_ =	shalt  }
0x59: {  	_ =	shalt  }
0x5a: {  	_ =	shalt  }
0x5b: {  	_ =	shalt  }
0x5c: {  	_ =	shalt  }
0x5d: {  	_ =	shalt  }
0x5e: {  	_ =	shalt  }
0x5f: {  	_ =	shalt  }
0x60: {  	_ =	shalt  }
0x61: {  	_ =	shalt  }
0x62: {  	_ =	shalt  }
0x63: {  	_ =	shalt  }
0x64: {  	_ =	shalt  }
0x65: {  	_ =	shalt  }
0x66: {  	_ =	shalt  }
0x67: {  	_ =	shalt  }
0x68: {  	_ =	shalt  }
0x69: {  	_ =	shalt  }
0x6a: {  	_ =	shalt  }
0x6b: {  	_ =	shalt  }
0x6c: {  	_ =	shalt  }
0x6d: {  	_ =	shalt  }
0x6e: {  	_ =	shalt  }
0x6f: {  	_ =	shalt  }
0x70: {  	_ =	shalt  }
0x71: {  	_ =	shalt  }
0x72: {  	_ =	shalt  }
0x73: {  	_ =	shalt  }
0x74: {  	_ =	shalt  }
0x75: {  	_ =	shalt  }
0x76: {  	_ =	shalt  }
0x77: {  	_ =	shalt  }
0x78: {  	_ =	shalt  }
0x79: {  	_ =	shalt  }
0x7a: {  	_ =	shalt  }
0x7b: {  	_ =	shalt  }
0x7c: {  	_ =	shalt  }
0x7d: {  	_ =	shalt  }
0x7e: {  	_ =	shalt  }
0x7f: {  	_ =	shalt  }
0x80: {  	_ =	shalt  }
0x81: {  	_ =	shalt  }
0x82: {  	_ =	shalt  }
0x83: {  	_ =	shalt  }
0x84: {  	_ =	shalt  }
0x85: {  	_ =	shalt  }
0x86: {  	_ =	shalt  }
0x87: {  	_ =	shalt  }
.Lfunc_end0:
.L_simem_size_0:
called_computation.1_lowered:
.L_overlay_start_0:
0x88: {  	s2 =	sld [smem:$0x3FD9]  }
0x89: {  	s3 =	sld [smem:$0x3FFE];
	_ =	sdelay $0x1  }
0x8a: {  	s1 =	srdreg.scid  }
0x8b: {  	s0 =	sand.u32 $0x1, s1  }
0x8c: {  	s16 =	sshll.u32 s0, $0xA;
	s2 =	sadd.s32 s3, s2  }
0x8d: {  	s2 =	sadd.s32 s2, s16  }
0x8e: {  	[smem:$0x3FC7] =	sst s2  }
0x8f: {  	_ = 	snop  }
0x90: {  	(tm) =	ssettm $0x1  }
0x91: {  	s17 =	sld [smem:$0x3FFB];
	_ =	sdelay $0x3  }
0x92: {  	_ =	strace s17  }
0x93: {  	s2 =	sld [smem:$0x3FFC];
	_ =	sdelay $0x3  }
0x94: {  	_ =	strace s2  }
0x95: {  	s2 =	sld [smem:$0x3FFD];
	_ =	sdelay $0x3  }
0x96: {  	_ =	strace s2  }
0x97: {  	_ =	strace $0x8FFFFFFF  }
0x98: {  	s18 =	sld [smem:$0x3FDB];
	_ =	sdelay $0x1  }
0x99: {  	s19 =	simm.s32 $_scs_section_size  }
0x9a: {  	s4 =	simm.s32 $_size__tile_overlayer_lowered;
	s5 =	simm.s32 $_tile_overlayer_lowered  }
0x9b: {  	s22 =	simm.s32 $0x1BFF;
	s21 =	sshll.u32 s5, $0x1;
	s2 =	sadd.s32 s19, s18  }
0x9c: {  	s6 =	simm.s32 $0x0;
	s20 =	sshll.u32 s4, $0x1;
	s4 =	sadd.s32 s21, s2  }
0x9d: {  	[timem:s6], [sflag:s22] =	dma.local [hbm:s4], s20  }
0x9e: {  	_ =	swait.ge [sflag:s22], s20  }
0x9f: {  	s3 =	ssub.s32 $0x0, s20;
	[sflag:s22] =	ssyncset.done $0x0  }
0xa0: {  	[sflag:s22] =	ssyncadd.s32 s3;
	_ =	sdelay $0x1  }
0xa1: {  	s23 =	simm.s32 $0x1B8B  }
0xa2: {  	_ =	swait.ge [sflag:s23], $0x1  }
0xa3: {  	[sflag:s23] =	ssyncset.done $0x0  }
0xa4: {  	s25 =	simm.s32 $0x1B8E;
	s24 =	sld [smem:$0x3FFE];
	[sflag:s23] =	ssyncadd.s32 $0xFFFFFFFF  }
0xa5: {  	s26 =	simm.s32 $execute0_lowered;
	[smem:$0x3FD2] =	sst s25  }
0xa6: {  	s4 =	sshll.u32 s26, $0x1;
	_ =	strace $0x80000049;
	[dreg:$0x1] =	wrdreg $0xFFFFFFFF  }
0xa7: {  	s28 =	simm.s32 $_size_execute0_lowered;
	s2 =	sadd.s32 s2, s4;
	[dreg:$0x0] =	wrdreg $0x0  }
0xa8: {  	s4 =	sshll.u32 s28, $0x1;
	[dreg:$0x2] =	wrdreg s2  }
0xa9: {  	[dreg:$0x3] =	wrdreg s4  }
0xaa: {  	[dreg:$0x4] =	wrdreg $0xC0  }
0xab: {  	_ =	task [dreg:s6], $0x5FFFF  }
0xac: {  	[dreg:$0x1] =	wrdreg $0xFFFFFFFF  }
0xad: {  	[dreg:$0x0] =	wrdreg $0x60  }
0xae: {  	[dreg:$0x2] =	wrdreg s24  }
0xaf: {  	[dreg:$0x3] =	wrdreg $0x9  }
0xb0: {  	_ =	task.clear_ibuf [dreg:s6], $0x4FFFF;
	_ =	strace $0x90000049  }
0xb1: {  	s29 =	simm.s32 $0x9;
	_ =	strace $0x8000004B  }
0xb2: {  	_ =	swait.ge [sflag:s29], $0x1  }
0xb3: {  	[sflag:s29] =	ssyncadd.s32 $0xFFFFFFFF  }
0xb4: {  	_ =	strace $0x9000004B  }
0xb5: {  	_ =	sfence  }
0xb6: {  	s30 =	sld [smem:$0x0];
	_ =	sdelay $0x2  }
0xb7: {  	s31 =	sshll.u32 s1, $0xD;
	s1 =	sshrl.u32 s1, $0x2  }
0xb8: {  	s3 =	sand.u32 $0x4000, s31;
	s1 =	sadd.s32 s1, s30  }
0xb9: {  	s0 =	sor.u32 s3, s0;
	s1 =	sshll.u32 s1, $0x11  }
0xba: {  	s0 =	sor.u32 s1, s0  }
0xbb: {  	s0 =	sadd.s32 $0x8F2B, s0  }
0xbc: {  	[sflag:s0] =	ssyncadd.remote.s32 $0x1  }
0xbd: {  	_ =	sfence.sel $0xFFFF  }
0xbe: {  	[dreg:$0x0] =	wrdreg $0xFFFFFFFF;
	(pc) =	sbr.abs _section_cstart, $3  }
0xbf: {  	[dreg:$0x1] =	wrdreg $0xFFFFFFFF  }
0xc0: {  	_ =	task.clear_ibuf [dreg:s6], $0x2FFFF;
	_ =	strace $0x9FFFFFFF  }
0xc1: {  	(tm) =	ssettm $0x7FFFFFFF  }
tec
execute0_lowered:
.L_overlay_start_1:
0x0: {  	(tag) =	ssettag $0x1  }
0x1: {  	s1 =	srdreg.scid;
	s0 =	stileid.u32  }
0x2: {  	s4 =	rddreg [dreg:$0x0];
	s2 =	simm.s32 $0x0;
	s3 =	sand.u32 $0x1, s1  }
0x3: {  	s30 =	sshll.u32 s0, $0x1;
	s1 =	rddreg [dreg:$0x1];
	s8 =	smul.u32 $0x60, s0  }
0x4: {  	[smem:$0x7FF] =	sst s2;
	s5 =	sor.u32 s3, s30;
	s10 =	smul.u32 $0x30, s3  }
0x5: {  	_ =	strace $0x8000004A;
	s7 =	ssub.s32 $0x2, s3;
	s6 =	smul.u32 $0x6, s5  }
0x6: {  	s3 =	sadd.s32 $0x2000, s4;
	s5 =	smul.u32 $0xC0, s5;
	s9 =	sshrl.u32 s7, $0x1  }
0x7: {  	s7 =	ssub.s32 s7, s9;
	s31 =	sadd.s32 s10, s8;
	s8 =	simm.s32 $0xC000  }
0x8: {  	s9 =	simm.s32 $0x0;
	s6 =	sadd.s32 s6, s4;
	s4 =	sshrl.u32 s5, $0x2  }
0x9: {  	v0 =	vmov s31;
	s5 =	sadd.s32 $0x800, s6;
	s6 =	smax.u32 s7, $0x1;
	s7 =	simm.s32 $0x1  }
.LBB2_1:
0xa: {  	[tilespmem:s2], [sflag:$0x1] =	stream.linear.gather [hbm4b:s3+s2], $0xC000, $0x38;
	[tilespmem:$0xC080] =	vst v63  }
0xb: {  	_ =	swait.ge [sflag:s7], $0xC000  }
0xc: {  	[sflag:s7] =	ssyncset.done $0x0  }
0xd: {  	s11 =	simm.s32 $0x20;
	[sflag:s7] =	ssyncadd.s32 $0xFFFF4000  }
0xe: {  	v2 =	vld [tilespmem:s11+$0xFFFFFFE0];
	_ =	sdelay $0x2  }
0xf: {  	v4 =	vld [tilespmem:s11+$0xFFFFFFF0]  }
0x10: {  	v1 =	vimm.f32 $0.0e+00  }
0x11: {  	v5 =	vadd.f32 v2, v1;
	v2 =	vld [tilespmem:s11+$0x0];
	_ =	sdelay $0x1  }
0x12: {  	v3 =	vld [tilespmem:s11+$0x10]  }
0x13: {  	s10 =	simm.s32 $0x0;
	s11 =	simm.s32 $0x60;
	v4 =	vadd.f32 v4, v5  }
.LBB2_2:
0x14: {  	v5 =	vld [tilespmem:s11+$0xFFFFFFE0];
	s10 =	sadd.s32 $0x4, s10  }
0x15: {  	p0 =	slt.u32 s10, $0xBFC;
	v2 =	vadd.f32 v2, v4  }
0x16: {  	v4 =	vld [tilespmem:s11+$0xFFFFFFF0]  }
.Ltmp0:
0x17: {  	v3 =	vadd.f32 v3, v2;
	(pc) =	sbr.rel @p0 .LBB2_2-.Ltmp0, $4  }
0x18: {  	v2 =	vld [tilespmem:s11+$0x0]  }
0x19: {  	v5 =	vadd.f32 v5, v3  }
0x1a: {  	v3 =	vld [tilespmem:s11+$0x10]  }
0x1b: {  	s11 =	sadd.s32 $0x40, s11;
	v4 =	vadd.f32 v4, v5  }
0x1c: {  	_ =	sdelay $0x1  }
0x1d: {  	v2 =	vadd.f32 v2, v4  }
0x1e: {  	s11 =	simm.s32 $0x0  }
0x1f: {  	s10 =	simm.s32 $0x1800;
	v3 =	vadd.f32 v3, v2;
	v2 =	vld.idx.msk [tilespmem:v0+s11+$0x0 ss:$0x1], $0xffff  }
.LBB2_4:
0x20: {  	p0 =	sne.s32 s10, $0x2E800  }
.Ltmp1:
0x21: {  	_ = 	snop;
	(pc) =	sbr.rel @p0 .LBB2_4-.Ltmp1, $3  }
0x22: {  	_ =	sdelay $0x1  }
0x23: {  	s11 =	sshra.s32 s10, $0x2;
	s10 =	sadd.s32 $0x1800, s10  }
0x24: {  	v1 =	vadd.f32 v2, v1;
	v2 =	vld.idx.msk [tilespmem:v0+s11+$0x0 ss:$0x1], $0xffff  }
0x25: {  	(xrf2) =	vadd.scan.msk.f32 $0xffff, v3;
	_ =	sdelay $0x9  }
0x26: {  	v3, _, _ =	vpop (xrf2)  }
0x27: {  	(v2sf) =	vpush v3, $0xF;
	_ =	sdelay $0xe  }
0x28: {  	s11 =	spop (v2sf)  }
0x29: {  	s10 =	ssub.s32 $0x7EF311C3, s11  }
0x2a: {  	s12 =	smul.f32 s10, s11;
	_ =	sdelay $0x1  }
0x2b: {  	s12 =	ssub.f32 $2.000000000e+00, s12;
	_ =	sdelay $0x1  }
0x2c: {  	s10 =	smul.f32 s10, s12;
	_ =	sdelay $0x1  }
0x2d: {  	s12 =	smul.f32 s10, s11;
	_ =	sdelay $0x1  }
0x2e: {  	s12 =	ssub.f32 $2.000000000e+00, s12;
	_ =	sdelay $0x1  }
0x2f: {  	s10 =	smul.f32 s12, s10;
	_ =	sdelay $0x1  }
0x30: {  	s12 =	smul.f32 s10, s11;
	_ =	sdelay $0x1  }
0x31: {  	s12 =	ssub.f32 $2.000000000e+00, s12;
	_ =	sdelay $0x1  }
0x32: {  	p0 =	sgt.f32 s11, $0.0e+00;
	s10 =	smul.f32 s12, s10  }
0x33: {  	v1 =	vadd.f32 v2, v1  }
0x34: {  	s10 =	simm.s32 @!p0 $0x3F800000  }
0x35: {  	v1 =	vmul.f32 s10, v1;
	_ =	sdelay $0x1  }
0x36: {  	[tilespmem:$0xC000] =	vst v1  }
0x37: {  	v1 =	vld [tilespmem:s4+$0x10];
	_ =	sdelay $0x1  }
0x38: {  	v2 =	vld [tilespmem:s4+$0x610];
	_ =	sdelay $0x1  }
0x39: {  	v3 =	vld [tilespmem:s4+$0xC10]  }
0x3a: {  	v1 =	vadd.f32 $0.0e+00, v1  }
0x3b: {  	v4 =	vld [tilespmem:s4+$0x1210]  }
0x3c: {  	v1 =	vadd.f32 v2, v1  }
0x3d: {  	v2 =	vld [tilespmem:s4+$0x1810]  }
0x3e: {  	v1 =	vadd.f32 v3, v1  }
0x3f: {  	v3 =	vld [tilespmem:s4+$0x1E10]  }
0x40: {  	v1 =	vadd.f32 v4, v1  }
0x41: {  	v45 =	vld [tilespmem:s4+$0x2410]  }
0x42: {  	v1 =	vadd.f32 v2, v1  }
0x43: {  	v2 =	vld [tilespmem:s4+$0x2A10]  }
0x44: {  	v1 =	vadd.f32 v3, v1  }
0x45: {  	v3 =	vld [tilespmem:s4+$0x3010]  }
0x46: {  	v1 =	vadd.f32 v45, v1  }
0x47: {  	v46 =	vld [tilespmem:s4+$0x3610]  }
0x48: {  	v1 =	vadd.f32 v2, v1  }
0x49: {  	v2 =	vld [tilespmem:s4+$0x3C10]  }
0x4a: {  	v1 =	vadd.f32 v3, v1  }
0x4b: {  	v3 =	vld [tilespmem:s4+$0x4210]  }
0x4c: {  	v1 =	vadd.f32 v46, v1  }
0x4d: {  	v47 =	vld [tilespmem:s4+$0x4810]  }
0x4e: {  	v1 =	vadd.f32 v2, v1  }
0x4f: {  	v2 =	vld [tilespmem:s4+$0x4E10]  }
0x50: {  	v1 =	vadd.f32 v3, v1  }
0x51: {  	v3 =	vld [tilespmem:s4+$0x5410]  }
0x52: {  	v1 =	vadd.f32 v47, v1  }
0x53: {  	v48 =	vld [tilespmem:s4+$0x5A10]  }
0x54: {  	v1 =	vadd.f32 v2, v1  }
0x55: {  	v2 =	vld [tilespmem:s4+$0x6010]  }
0x56: {  	v1 =	vadd.f32 v3, v1  }
0x57: {  	v3 =	vld [tilespmem:s4+$0x6610]  }
0x58: {  	v1 =	vadd.f32 v48, v1  }
0x59: {  	v49 =	vld [tilespmem:s4+$0x6C10]  }
0x5a: {  	v1 =	vadd.f32 v2, v1  }
0x5b: {  	v2 =	vld [tilespmem:s4+$0x7210]  }
0x5c: {  	v1 =	vadd.f32 v3, v1  }
0x5d: {  	v3 =	vld [tilespmem:s4+$0x7810]  }
0x5e: {  	v1 =	vadd.f32 v49, v1  }
0x5f: {  	v50 =	vld [tilespmem:s4+$0x7E10]  }
0x60: {  	v1 =	vadd.f32 v2, v1  }
0x61: {  	v2 =	vld [tilespmem:s4+$0x8410]  }
0x62: {  	v1 =	vadd.f32 v3, v1  }
0x63: {  	v3 =	vld [tilespmem:s4+$0x8A10]  }
0x64: {  	v1 =	vadd.f32 v50, v1  }
0x65: {  	v51 =	vld [tilespmem:s4+$0x9010]  }
0x66: {  	v1 =	vadd.f32 v2, v1  }
0x67: {  	v2 =	vld [tilespmem:s4+$0x9610]  }
0x68: {  	v1 =	vadd.f32 v3, v1  }
0x69: {  	v3 =	vld [tilespmem:s4+$0x9C10]  }
0x6a: {  	v1 =	vadd.f32 v51, v1  }
0x6b: {  	v52 =	vld [tilespmem:s4+$0xA210]  }
0x6c: {  	v1 =	vadd.f32 v2, v1  }
0x6d: {  	v2 =	vld [tilespmem:s4+$0xA810]  }
0x6e: {  	v1 =	vadd.f32 v3, v1  }
0x6f: {  	v3 =	vld [tilespmem:s4+$0xAE10]  }
0x70: {  	v1 =	vadd.f32 v52, v1  }
0x71: {  	v53 =	vld [tilespmem:s4+$0xB410]  }
0x72: {  	v1 =	vadd.f32 v2, v1  }
0x73: {  	v2 =	vld [tilespmem:s4+$0xBA10]  }
0x74: {  	v1 =	vadd.f32 v3, v1;
	_ =	sdelay $0x1  }
0x75: {  	v1 =	vadd.f32 v53, v1;
	_ =	sdelay $0x1  }
0x76: {  	v1 =	vadd.f32 v2, v1;
	_ =	sdelay $0x1  }
0x77: {  	v1 =	vmul.f32 s10, v1;
	_ =	sdelay $0x1  }
0x78: {  	[tilespmem:$0xC010] =	vst v1  }
0x79: {  	v1 =	vld [tilespmem:s4+$0x20];
	_ =	sdelay $0x1  }
0x7a: {  	v2 =	vld [tilespmem:s4+$0x620];
	_ =	sdelay $0x1  }
0x7b: {  	v3 =	vld [tilespmem:s4+$0xC20]  }
0x7c: {  	v1 =	vadd.f32 $0.0e+00, v1  }
0x7d: {  	v54 =	vld [tilespmem:s4+$0x1220]  }
0x7e: {  	v1 =	vadd.f32 v2, v1  }
0x7f: {  	v2 =	vld [tilespmem:s4+$0x1820]  }
0x80: {  	v1 =	vadd.f32 v3, v1  }
0x81: {  	v3 =	vld [tilespmem:s4+$0x1E20]  }
0x82: {  	v1 =	vadd.f32 v54, v1  }
0x83: {  	v55 =	vld [tilespmem:s4+$0x2420]  }
0x84: {  	v1 =	vadd.f32 v2, v1  }
0x85: {  	v2 =	vld [tilespmem:s4+$0x2A20]  }
0x86: {  	v1 =	vadd.f32 v3, v1  }
0x87: {  	v3 =	vld [tilespmem:s4+$0x3020]  }
0x88: {  	v1 =	vadd.f32 v55, v1  }
0x89: {  	v56 =	vld [tilespmem:s4+$0x3620]  }
0x8a: {  	v1 =	vadd.f32 v2, v1  }
0x8b: {  	v2 =	vld [tilespmem:s4+$0x3C20]  }
0x8c: {  	v1 =	vadd.f32 v3, v1  }
0x8d: {  	v3 =	vld [tilespmem:s4+$0x4220]  }
0x8e: {  	v1 =	vadd.f32 v56, v1  }
0x8f: {  	v57 =	vld [tilespmem:s4+$0x4820]  }
0x90: {  	v1 =	vadd.f32 v2, v1  }
0x91: {  	v2 =	vld [tilespmem:s4+$0x4E20]  }
0x92: {  	v1 =	vadd.f32 v3, v1  }
0x93: {  	v3 =	vld [tilespmem:s4+$0x5420]  }
0x94: {  	v1 =	vadd.f32 v57, v1  }
0x95: {  	v58 =	vld [tilespmem:s4+$0x5A20]  }
0x96: {  	v1 =	vadd.f32 v2, v1  }
0x97: {  	v2 =	vld [tilespmem:s4+$0x6020]  }
0x98: {  	v1 =	vadd.f32 v3, v1  }
0x99: {  	v3 =	vld [tilespmem:s4+$0x6620]  }
0x9a: {  	v1 =	vadd.f32 v58, v1  }
0x9b: {  	v59 =	vld [tilespmem:s4+$0x6C20]  }
0x9c: {  	v1 =	vadd.f32 v2, v1  }
0x9d: {  	v2 =	vld [tilespmem:s4+$0x7220]  }
0x9e: {  	v1 =	vadd.f32 v3, v1  }
0x9f: {  	v3 =	vld [tilespmem:s4+$0x7820]  }
0xa0: {  	v1 =	vadd.f32 v59, v1  }
0xa1: {  	v60 =	vld [tilespmem:s4+$0x7E20]  }
0xa2: {  	v1 =	vadd.f32 v2, v1  }
0xa3: {  	v2 =	vld [tilespmem:s4+$0x8420]  }
0xa4: {  	v1 =	vadd.f32 v3, v1  }
0xa5: {  	v3 =	vld [tilespmem:s4+$0x8A20]  }
0xa6: {  	v1 =	vadd.f32 v60, v1  }
0xa7: {  	v61 =	vld [tilespmem:s4+$0x9020]  }
0xa8: {  	v1 =	vadd.f32 v2, v1  }
0xa9: {  	v2 =	vld [tilespmem:s4+$0x9620]  }
0xaa: {  	v1 =	vadd.f32 v3, v1  }
0xab: {  	v3 =	vld [tilespmem:s4+$0x9C20]  }
0xac: {  	v1 =	vadd.f32 v61, v1  }
0xad: {  	v62 =	vld [tilespmem:s4+$0xA220]  }
0xae: {  	v1 =	vadd.f32 v2, v1  }
0xaf: {  	v2 =	vld [tilespmem:s4+$0xA820]  }
0xb0: {  	v1 =	vadd.f32 v3, v1  }
0xb1: {  	v3 =	vld [tilespmem:s4+$0xAE20]  }
0xb2: {  	v1 =	vadd.f32 v62, v1  }
0xb3: {  	v63 =	vld [tilespmem:s4+$0xB420]  }
0xb4: {  	v1 =	vadd.f32 v2, v1  }
0xb5: {  	v2 =	vld [tilespmem:s4+$0xBA20]  }
0xb6: {  	v1 =	vadd.f32 v3, v1;
	_ =	sdelay $0x1  }
0xb7: {  	v1 =	vadd.f32 v63, v1;
	_ =	sdelay $0x1  }
0xb8: {  	v1 =	vadd.f32 v2, v1;
	_ =	sdelay $0x1  }
0xb9: {  	s9 =	sadd.s32 $0x1, s9;
	v1 =	vmul.f32 s10, v1  }
0xba: {  	p0 =	sne.s32 s9, s6  }
.Ltmp2:
0xbb: {  	[tilespmem:$0xC020] =	vst v1;
	(pc) =	sbr.rel @p0 .LBB2_1-.Ltmp2, $4  }
0xbc: {  	[hbm4b:s5+s2] =	stream.linear.scatter [tilespmem:s8], [sflag:$0x1], $0x30, $0x38;
	[tilespmem:$0xC080] =	vst v63  }
0xbd: {  	_ =	swait.ge [sflag:s7], $0x30  }
0xbe: {  	[sflag:s7] =	ssyncset.done $0x0  }
0xbf: {  	[sflag:s7] =	ssyncadd.s32 $0xFFFFFFD0  }
0xc0: {  	_ =	sfence.sel $0x180000  }
0xc1: {  	[bflag:$0x0] =	sbarrier.arrive $0xFFFF  }
0xc2: {  	p0 =	sne.s32 s0, $0x0;
	_ =	strace $0x9000004A  }
0xc3: {  	s0 =	sadd.s32 @!p0 $0x100000, s1;
	[bflag:$0x2] =	sbarrier.arrive $0xFFFF  }
0xc4: {  	[sflag:s0] =	ssyncadd.tile.s32 @!p0 $0x1;
	_ =	shalt  }
.Lfunc_end2:
_tile_overlayer_lowered:
.L_overlay_start_2:
0xc5: {  	(tag) =	ssettag $0x2  }
0xc6: {  	s0 =	rddreg [dreg:$0x0];
	s2 =	stileid.u32  }
0xc7: {  	s1 =	rddreg [dreg:$0x1];
	p0 =	sne.s32 s2, $0x0  }
0xc8: {  	s3 =	rddreg [dreg:$0x2];
	[bflag:$0x3] =	sbarrier.arrive $0xFFFF;
	s2 =	simm.s32 @!p0 $0x1C01  }
0xc9: {  	[timem:s3], [sflag:s2] =	dma.local @!p0 [hbm:s0], s1  }
0xca: {  	s0 =	simm.s32 @!p0 $0x1  }
0xcb: {  	_ =	swait.ge @!p0 [sflag:s0], s1  }
0xcc: {  	s1 =	ssub.s32 @!p0 $0x0, s1;
	[sflag:s0] =	ssyncset.done @!p0 $0x0  }
0xcd: {  	[sflag:s0] =	ssyncadd.s32 @!p0 s1  }
0xce: {  	[bflag:$0x3] =	sbarrier.arrive $0xFFFF  }
0xcf: {  	_ =	shalt  }

</sc_bundles>
